<compile_context>
chip_gen: v7x
topology: tpu7x:2x2x1
jax: 0.10.2.dev20260603
libtpu: 0.0.44.dev20260713+nightly
codegen_flags: <defaults>
</compile_context>

<pallas_src>
import jax
import jax.numpy as jnp
from jax import lax
from jax.experimental import pallas as pl
from jax.experimental.pallas import tpu as pltpu
from jax.experimental.pallas import tpu_sc as plsc

NUM_PAGES = 8192
PAGE_SIZE = 16
SLOTS = 32
MAX_PAGES_PER_SLOT = 256

_NC, _NS, _L = 2, 16, 16
_NW = _NC * _NS
_PS_CHUNK = NUM_PAGES // _NW

_i32 = jnp.int32


def _body(len_hbm, ps_hbm, pm_hbm, seq_hbm, npu_hbm, cp_hbm, cpp_hbm,
          len_v, row_v, ps_v, seq_v, npu_v, cp_v, cpp_v, sem):
    wid = lax.axis_index("c") * _NS + lax.axis_index("s")

    pltpu.sync_copy(len_hbm, len_v)
    l_lo = len_v[pl.ds(0, _L)]
    l_hi = len_v[pl.ds(_L, _L)]

    iota = lax.iota(_i32, _L)
    idx_lo = iota
    idx_hi = iota + _L

    n_lo = (l_lo + (PAGE_SIZE - 1)) >> 4
    n_hi = (l_hi + (PAGE_SIZE - 1)) >> 4
    dec_lo = ((l_lo > 0) & ((l_lo & (PAGE_SIZE - 1)) == 0)).astype(_i32)
    dec_hi = ((l_hi > 0) & ((l_hi & (PAGE_SIZE - 1)) == 0)).astype(_i32)

    zeros = jnp.zeros((_L,), _i32)
    total_prefill = jnp.sum(n_lo + n_hi)
    total_dec = jnp.sum(dec_lo + dec_hi)
    total_final = total_prefill + total_dec

    n_s = jnp.sum(jnp.where(idx_lo == wid, n_lo, zeros)
                  + jnp.where(idx_hi == wid, n_hi, zeros))
    off_s = 1 + jnp.sum(jnp.where(idx_lo < wid, n_lo, zeros)
                        + jnp.where(idx_hi < wid, n_hi, zeros))
    dec_s = jnp.sum(jnp.where(idx_lo == wid, dec_lo, zeros)
                    + jnp.where(idx_hi == wid, dec_hi, zeros))
    rank_s = jnp.sum(jnp.where(idx_lo < wid, dec_lo, zeros)
                     + jnp.where(idx_hi < wid, dec_hi, zeros))
    pdec_s = total_prefill + 1 + rank_s

    for v in range(MAX_PAGES_PER_SLOT // _L):
        k = iota + v * _L
        val = jnp.where(k < n_s, off_s + k, zeros)
        val = jnp.where((k == n_s) & (dec_s > 0),
                        jnp.broadcast_to(pdec_s, (_L,)), val)
        row_v[pl.ds(v * _L, _L)] = val
    row_cp = pltpu.async_copy(row_v, pm_hbm.at[wid], sem)

    base = wid * _PS_CHUNK
    for v in range(_PS_CHUNK // _L):
        p = base + v * _L + iota
        ps_v[pl.ds(v * _L, _L)] = ((p >= 1) & (p <= total_final)).astype(_i32)
    ps_cp = pltpu.async_copy(ps_v, ps_hbm.at[pl.ds(base, _PS_CHUNK)], sem)

    @pl.when(wid == 0)
    def _():
        for half, l in enumerate((l_lo, l_hi)):
            seq_v[pl.ds(half * _L, _L)] = l + (l > 0).astype(_i32)
        pltpu.async_copy(seq_v, seq_hbm, sem).wait()

    @pl.when(wid == 1)
    def _():
        for half, (n, dec) in enumerate(((n_lo, dec_lo), (n_hi, dec_hi))):
            npu_v[pl.ds(half * _L, _L)] = n + dec
        pltpu.async_copy(npu_v, npu_hbm, sem).wait()

    @pl.when(wid == 2)
    def _():
        sum_lo = jnp.sum(n_lo)
        dsum_lo = jnp.sum(dec_lo)
        off_vec_lo = 1 + jnp.cumsum(n_lo) - n_lo
        off_vec_hi = 1 + sum_lo + jnp.cumsum(n_hi) - n_hi
        rank_lo = jnp.cumsum(dec_lo) - dec_lo
        rank_hi = dsum_lo + jnp.cumsum(dec_hi) - dec_hi
        for half, (n, dec, off, rank) in enumerate(
                ((n_lo, dec_lo, off_vec_lo, rank_lo),
                 (n_hi, dec_hi, off_vec_hi, rank_hi))):
            last = jnp.where(n > 0, off + n - 1, zeros)
            pdec = total_prefill + 1 + rank
            cp_v[pl.ds(half * _L, _L)] = jnp.where(dec > 0, pdec, last)
        pltpu.async_copy(cp_v, cp_hbm, sem).wait()

    @pl.when(wid == 3)
    def _():
        for half, l in enumerate((l_lo, l_hi)):
            cpp_v[pl.ds(half * _L, _L)] = jnp.where(
                l > 0, l & (PAGE_SIZE - 1), zeros)
        pltpu.async_copy(cpp_v, cpp_hbm, sem).wait()

    row_cp.wait()
    ps_cp.wait()


@jax.jit
def kernel(true_lengths):
    vec32 = jax.ShapeDtypeStruct((SLOTS,), _i32)
    out_type = (
        jax.ShapeDtypeStruct((NUM_PAGES,), _i32),
        jax.ShapeDtypeStruct((SLOTS, MAX_PAGES_PER_SLOT), _i32),
        vec32, vec32, vec32, vec32,
    )
    run = pl.kernel(
        _body,
        out_type=out_type,
        mesh=plsc.VectorSubcoreMesh(core_axis_name="c", subcore_axis_name="s"),
        compiler_params=pltpu.CompilerParams(needs_layout_passes=False),
        scratch_types=[
            pltpu.VMEM((SLOTS,), _i32),
            pltpu.VMEM((MAX_PAGES_PER_SLOT,), _i32),
            pltpu.VMEM((_PS_CHUNK,), _i32),
            pltpu.VMEM((SLOTS,), _i32),
            pltpu.VMEM((SLOTS,), _i32),
            pltpu.VMEM((SLOTS,), _i32),
            pltpu.VMEM((SLOTS,), _i32),
            pltpu.SemaphoreType.DMA,
        ],
    )
    return run(true_lengths.astype(_i32))

# --- scband reference (transcript-rebuilt; emitter-appended) ---
"""Pipeline reference for scband-page-manager-16028817948755 (READ-ONLY COPY).

The authoritative reference and input builder live on the scoring server;
editing this copy changes nothing except your own understanding.
"""

import jax, jax.numpy as jnp
import numpy as np

NUM_PAGES = 8192
PAGE_SIZE = 16
SLOTS = 32
MAX_PAGES_PER_SLOT = 256
MAX_PREFILL = 2048


def setup_inputs(seed: int = 0):
    key = jax.random.key(seed)
    true_lengths = jax.random.randint(key, (SLOTS,), 0, MAX_PREFILL, dtype=jnp.int32)
    return {'true_lengths': true_lengths}


def _release_slot_pages(slot, page_status, page_map, sequence_lengths, num_pages_used, current_page, current_page_position):
    def _release_page(i, state):
        pm, ps = state
        page_idx = pm[slot][i]
        ps = ps.at[page_idx].set(0)
        pm = pm.at[slot, i].set(0)
        return (pm, ps)
    page_map, page_status = jax.lax.fori_loop(0, num_pages_used[slot], _release_page, (page_map, page_status))
    sequence_lengths = sequence_lengths.at[slot].set(0)
    num_pages_used = num_pages_used.at[slot].set(0)
    current_page = current_page.at[slot].set(0)
    current_page_position = current_page_position.at[slot].set(0)
    return page_status, page_map, sequence_lengths, num_pages_used, current_page, current_page_position


def _reserve_prefix_slot_pages(slot, true_length, page_status, page_map, sequence_lengths, num_pages_used, current_page, current_page_position):
    (page_status, page_map, sequence_lengths, num_pages_used, current_page, current_page_position) = _release_slot_pages(
        slot, page_status, page_map, sequence_lengths, num_pages_used, current_page, current_page_position)
    prefill_slot_num_pages = jnp.ceil(true_length / PAGE_SIZE).astype(jnp.int32)
    prefill_slot_page_slice_idx = jnp.where(true_length == 0, 0, (true_length - 1) % PAGE_SIZE)
    def _reserve_page(i, state):
        pm, ps, cp = state
        page_idx = jnp.where(ps[1:] == 0, size=1)[0][0] + 1
        ps = ps.at[page_idx].set(1)
        pm = pm.at[slot, i].set(page_idx)
        cp = cp.at[slot].set(page_idx)
        return (pm, ps, cp)
    page_map, page_status, current_page = jax.lax.fori_loop(0, prefill_slot_num_pages, _reserve_page, (page_map, page_status, current_page))
    sequence_lengths = sequence_lengths.at[slot].set(true_length)
    num_pages_used = num_pages_used.at[slot].set(prefill_slot_num_pages)
    current_page_position = current_page_position.at[slot].set(prefill_slot_page_slice_idx)
    return page_status, page_map, sequence_lengths, num_pages_used, current_page, current_page_position


def _reserve_decode_step_pages(page_status, page_map, sequence_lengths, num_pages_used, current_page, current_page_position):
    sequence_lengths_step = jnp.logical_and(jnp.ones(sequence_lengths.shape, dtype=jnp.int32), sequence_lengths).astype(jnp.int32)
    sequence_lengths = sequence_lengths + sequence_lengths_step
    current_num_pages_used = num_pages_used
    num_pages_used = jnp.ceil(sequence_lengths / PAGE_SIZE).astype(jnp.int32)
    current_page_position = jnp.where(sequence_lengths == 0, 0, (sequence_lengths - 1) % PAGE_SIZE)
    seq_new_page = num_pages_used - current_num_pages_used
    updating_slots = jnp.where(seq_new_page > 0, size=SLOTS)[0]
    def _reserve_page(i, state):
        pm, ps, cp, us = state
        slot = jax.lax.dynamic_index_in_dim(us, i, axis=0, keepdims=False)
        page_idx = jnp.where(ps[1:] == 0, size=1)[0][0] + 1
        ps = ps.at[page_idx].set(1)
        pm = pm.at[slot, num_pages_used[slot] - 1].set(page_idx)
        cp = cp.at[slot].set(page_idx)
        return (pm, ps, cp, us)
    page_map, page_status, current_page, _ = jax.lax.fori_loop(
        0, jnp.count_nonzero(seq_new_page), _reserve_page,
        (page_map, page_status, current_page, updating_slots))
    return page_status, page_map, sequence_lengths, num_pages_used, current_page, current_page_position


def reference(true_lengths):
    page_status = jnp.zeros((NUM_PAGES,), jnp.int32)
    page_map = jnp.zeros((SLOTS, MAX_PAGES_PER_SLOT), jnp.int32)
    sequence_lengths = jnp.zeros((SLOTS,), jnp.int32)
    num_pages_used = jnp.zeros((SLOTS,), jnp.int32)
    current_page = jnp.zeros((SLOTS,), jnp.int32)
    current_page_position = jnp.zeros((SLOTS,), jnp.int32)
    state = (page_status, page_map, sequence_lengths, num_pages_used, current_page, current_page_position)
    for slot in range(SLOTS):
        state = _reserve_prefix_slot_pages(slot, true_lengths[slot], *state)
    state = _reserve_decode_step_pages(*state)
    return state

if __name__ == "__main__":
    import jax
    _d = setup_inputs()
    print(jax.jit(kernel)(*tuple(_d.values())))

</pallas_src>

<mosaic_0001>
#map = affine_map<(d0, d1) -> (0)>
#map1 = affine_map<(d0, d1) -> (0, 0)>
module attributes {stable_mosaic.version = 14 : i64} {
  func.func @_body(%arg0: i32, %arg1: i32, %arg2: memref<32xi32, #tpu.memory_space<hbm>>, %arg3: memref<8192xi32, #tpu.memory_space<hbm>>, %arg4: memref<32x256xi32, #tpu.memory_space<hbm>>, %arg5: memref<32xi32, #tpu.memory_space<hbm>>, %arg6: memref<32xi32, #tpu.memory_space<hbm>>, %arg7: memref<32xi32, #tpu.memory_space<hbm>>, %arg8: memref<32xi32, #tpu.memory_space<hbm>>, %arg9: memref<32xi32, #tpu.memory_space<vmem>>, %arg10: memref<256xi32, #tpu.memory_space<vmem>>, %arg11: memref<256xi32, #tpu.memory_space<vmem>>, %arg12: memref<32xi32, #tpu.memory_space<vmem>>, %arg13: memref<32xi32, #tpu.memory_space<vmem>>, %arg14: memref<32xi32, #tpu.memory_space<vmem>>, %arg15: memref<32xi32, #tpu.memory_space<vmem>>, %arg16: memref<!tpu.dma_semaphore, #tpu.memory_space<semaphore_mem>>) attributes {dimension_semantics = [#tpu.dimension_semantics<core_parallel>, #tpu.dimension_semantics<subcore_parallel>], iteration_bounds = array<i64: 2, 16>, scalar_prefetch = 0 : i64, scratch_operands = 8 : i64, tpu.core_type = #tpu.core_type<sc_vector_subcore>, window_params = [{transform_indices = #map}, {transform_indices = #map}, {transform_indices = #map1}, {transform_indices = #map}, {transform_indices = #map}, {transform_indices = #map}, {transform_indices = #map}]} {
    %mul3A = arith.constant 16 : i32
    %mul3A_0 = arith.muli %arg0, %mul3A : i32
    %add3A = arith.addi %mul3A_0, %arg1 : i32
    "tpu.region"() ({
      %run_scoped3A = tpu.sem_alloc : memref<!tpu.dma_semaphore, #tpu.memory_space<semaphore_mem>>
      tpu.enqueue_dma source(%arg2 : memref<32xi32, #tpu.memory_space<hbm>>) target(%arg9 : memref<32xi32, #tpu.memory_space<vmem>>) target_semaphore(%run_scoped3A : memref<!tpu.dma_semaphore, #tpu.memory_space<semaphore_mem>>)
      tpu.wait_dma2 semaphore(%run_scoped3A : memref<!tpu.dma_semaphore, #tpu.memory_space<semaphore_mem>>) src(%arg2 : memref<32xi32, #tpu.memory_space<hbm>>) dst(%arg9 : memref<32xi32, #tpu.memory_space<vmem>>)
      tpu.yield
    }) : () -> ()
    %get3A = arith.constant 0 : index
    %get3A_1 = tpu.vector_load %arg9[%get3A] {strides = array<i32>} : memref<32xi32, #tpu.memory_space<vmem>>, vector<16xi32>,
    %get3A_2 = arith.constant 16 : index
    %get3A_3 = tpu.vector_load %arg9[%get3A_2] {strides = array<i32>} : memref<32xi32, #tpu.memory_space<vmem>>, vector<16xi32>,
    %iota3A = tpu.iota {dimensions = array<i32: 0>} : vector<16xi32>
    %add3A_4 = arith.constant 16 : i32
    %add3A_5 = vector.broadcast %add3A_4 : i32 to vector<16xi32>
    %add3A_6 = arith.addi %iota3A, %add3A_5 : vector<16xi32>
    %add3A_7 = arith.constant 15 : i32
    %add3A_8 = vector.broadcast %add3A_7 : i32 to vector<16xi32>
    %add3A_9 = arith.addi %get3A_1, %add3A_8 : vector<16xi32>
    %shift_right_arithmetic3A = arith.constant 4 : i32
    %shift_right_arithmetic3A_10 = vector.broadcast %shift_right_arithmetic3A : i32 to vector<16xi32>
    %shift_right_arithmetic3A_11 = arith.shrsi %add3A_9, %shift_right_arithmetic3A_10 : vector<16xi32>
    %add3A_12 = arith.constant 15 : i32
    %add3A_13 = vector.broadcast %add3A_12 : i32 to vector<16xi32>
    %add3A_14 = arith.addi %get3A_3, %add3A_13 : vector<16xi32>
    %shift_right_arithmetic3A_15 = arith.constant 4 : i32
    %shift_right_arithmetic3A_16 = vector.broadcast %shift_right_arithmetic3A_15 : i32 to vector<16xi32>
    %shift_right_arithmetic3A_17 = arith.shrsi %add3A_14, %shift_right_arithmetic3A_16 : vector<16xi32>
    %gt3A = arith.constant 0 : i32
    %gt3A_18 = vector.broadcast %gt3A : i32 to vector<16xi32>
    %gt3A_19 = arith.cmpi sgt, %get3A_1, %gt3A_18 : vector<16xi32>
    %and3A = arith.constant 15 : i32
    %and3A_20 = vector.broadcast %and3A : i32 to vector<16xi32>
    %and3A_21 = arith.andi %get3A_1, %and3A_20 : vector<16xi32>
    %eq3A = arith.constant 0 : i32
    %eq3A_22 = vector.broadcast %eq3A : i32 to vector<16xi32>
    %eq3A_23 = arith.cmpi eq, %and3A_21, %eq3A_22 : vector<16xi32>
    %and3A_24 = arith.andi %gt3A_19, %eq3A_23 : vector<16xi1>
    %convert_element_type3A = arith.extui %and3A_24 : vector<16xi1> to vector<16xi32>
    %gt3A_25 = arith.constant 0 : i32
    %gt3A_26 = vector.broadcast %gt3A_25 : i32 to vector<16xi32>
    %gt3A_27 = arith.cmpi sgt, %get3A_3, %gt3A_26 : vector<16xi32>
    %and3A_28 = arith.constant 15 : i32
    %and3A_29 = vector.broadcast %and3A_28 : i32 to vector<16xi32>
    %and3A_30 = arith.andi %get3A_3, %and3A_29 : vector<16xi32>
    %eq3A_31 = arith.constant 0 : i32
    %eq3A_32 = vector.broadcast %eq3A_31 : i32 to vector<16xi32>
    %eq3A_33 = arith.cmpi eq, %and3A_30, %eq3A_32 : vector<16xi32>
    %and3A_34 = arith.andi %gt3A_27, %eq3A_33 : vector<16xi1>
    %convert_element_type3A_35 = arith.extui %and3A_34 : vector<16xi1> to vector<16xi32>
    %broadcast_in_dim3A = arith.constant 0 : i32
    %broadcast_in_dim3A_36 = vector.broadcast %broadcast_in_dim3A : i32 to vector<16xi32>
    %add3A_37 = arith.addi %shift_right_arithmetic3A_11, %shift_right_arithmetic3A_17 : vector<16xi32>
    %reduce_sum3A = arith.constant true
    %reduce_sum3A_38 = vector.broadcast %reduce_sum3A : i1 to vector<16xi1>
    %reduce_sum3A_39 = tpu.scan <sum>, %add3A_37 masked %reduce_sum3A_38 : vector<16xi32>, vector<16xi1> -> vector<16xi32>
    %reduce_sum3A_40 = vector.extract %reduce_sum3A_39[15] : i32 from vector<16xi32>
    %add3A_41 = arith.addi %convert_element_type3A, %convert_element_type3A_35 : vector<16xi32>
    %reduce_sum3A_42 = arith.constant true
    %reduce_sum3A_43 = vector.broadcast %reduce_sum3A_42 : i1 to vector<16xi1>
    %reduce_sum3A_44 = tpu.scan <sum>, %add3A_41 masked %reduce_sum3A_43 : vector<16xi32>, vector<16xi1> -> vector<16xi32>
    %reduce_sum3A_45 = vector.extract %reduce_sum3A_44[15] : i32 from vector<16xi32>
    %add3A_46 = arith.addi %reduce_sum3A_40, %reduce_sum3A_45 : i32
    %eq3A_47 = vector.broadcast %add3A : i32 to vector<16xi32>
    %eq3A_48 = arith.cmpi eq, %iota3A, %eq3A_47 : vector<16xi32>
    %select_n3A = arith.select %eq3A_48, %shift_right_arithmetic3A_11, %broadcast_in_dim3A_36 : vector<16xi1>, vector<16xi32>
    %eq3A_49 = vector.broadcast %add3A : i32 to vector<16xi32>
    %eq3A_50 = arith.cmpi eq, %add3A_6, %eq3A_49 : vector<16xi32>
    %select_n3A_51 = arith.select %eq3A_50, %shift_right_arithmetic3A_17, %broadcast_in_dim3A_36 : vector<16xi1>, vector<16xi32>
    %add3A_52 = arith.addi %select_n3A, %select_n3A_51 : vector<16xi32>
    %reduce_sum3A_53 = arith.constant true
    %reduce_sum3A_54 = vector.broadcast %reduce_sum3A_53 : i1 to vector<16xi1>
    %reduce_sum3A_55 = tpu.scan <sum>, %add3A_52 masked %reduce_sum3A_54 : vector<16xi32>, vector<16xi1> -> vector<16xi32>
    %reduce_sum3A_56 = vector.extract %reduce_sum3A_55[15] : i32 from vector<16xi32>
    %lt3A = vector.broadcast %add3A : i32 to vector<16xi32>
    %lt3A_57 = arith.cmpi slt, %iota3A, %lt3A : vector<16xi32>
    %select_n3A_58 = arith.select %lt3A_57, %shift_right_arithmetic3A_11, %broadcast_in_dim3A_36 : vector<16xi1>, vector<16xi32>
    %lt3A_59 = vector.broadcast %add3A : i32 to vector<16xi32>
    %lt3A_60 = arith.cmpi slt, %add3A_6, %lt3A_59 : vector<16xi32>
    %select_n3A_61 = arith.select %lt3A_60, %shift_right_arithmetic3A_17, %broadcast_in_dim3A_36 : vector<16xi1>, vector<16xi32>
    %add3A_62 = arith.addi %select_n3A_58, %select_n3A_61 : vector<16xi32>
    %reduce_sum3A_63 = arith.constant true
    %reduce_sum3A_64 = vector.broadcast %reduce_sum3A_63 : i1 to vector<16xi1>
    %reduce_sum3A_65 = tpu.scan <sum>, %add3A_62 masked %reduce_sum3A_64 : vector<16xi32>, vector<16xi1> -> vector<16xi32>
    %reduce_sum3A_66 = vector.extract %reduce_sum3A_65[15] : i32 from vector<16xi32>
    %add3A_67 = arith.constant 1 : i32
    %add3A_68 = arith.addi %add3A_67, %reduce_sum3A_66 : i32
    %eq3A_69 = vector.broadcast %add3A : i32 to vector<16xi32>
    %eq3A_70 = arith.cmpi eq, %iota3A, %eq3A_69 : vector<16xi32>
    %select_n3A_71 = arith.select %eq3A_70, %convert_element_type3A, %broadcast_in_dim3A_36 : vector<16xi1>, vector<16xi32>
    %eq3A_72 = vector.broadcast %add3A : i32 to vector<16xi32>
    %eq3A_73 = arith.cmpi eq, %add3A_6, %eq3A_72 : vector<16xi32>
    %select_n3A_74 = arith.select %eq3A_73, %convert_element_type3A_35, %broadcast_in_dim3A_36 : vector<16xi1>, vector<16xi32>
    %add3A_75 = arith.addi %select_n3A_71, %select_n3A_74 : vector<16xi32>
    %reduce_sum3A_76 = arith.constant true
    %reduce_sum3A_77 = vector.broadcast %reduce_sum3A_76 : i1 to vector<16xi1>
    %reduce_sum3A_78 = tpu.scan <sum>, %add3A_75 masked %reduce_sum3A_77 : vector<16xi32>, vector<16xi1> -> vector<16xi32>
    %reduce_sum3A_79 = vector.extract %reduce_sum3A_78[15] : i32 from vector<16xi32>
    %lt3A_80 = vector.broadcast %add3A : i32 to vector<16xi32>
    %lt3A_81 = arith.cmpi slt, %iota3A, %lt3A_80 : vector<16xi32>
    %select_n3A_82 = arith.select %lt3A_81, %convert_element_type3A, %broadcast_in_dim3A_36 : vector<16xi1>, vector<16xi32>
    %lt3A_83 = vector.broadcast %add3A : i32 to vector<16xi32>
    %lt3A_84 = arith.cmpi slt, %add3A_6, %lt3A_83 : vector<16xi32>
    %select_n3A_85 = arith.select %lt3A_84, %convert_element_type3A_35, %broadcast_in_dim3A_36 : vector<16xi1>, vector<16xi32>
    %add3A_86 = arith.addi %select_n3A_82, %select_n3A_85 : vector<16xi32>
    %reduce_sum3A_87 = arith.constant true
    %reduce_sum3A_88 = vector.broadcast %reduce_sum3A_87 : i1 to vector<16xi1>
    %reduce_sum3A_89 = tpu.scan <sum>, %add3A_86 masked %reduce_sum3A_88 : vector<16xi32>, vector<16xi1> -> vector<16xi32>
    %reduce_sum3A_90 = vector.extract %reduce_sum3A_89[15] : i32 from vector<16xi32>
    %add3A_91 = arith.constant 1 : i32
    %add3A_92 = arith.addi %reduce_sum3A_40, %add3A_91 : i32
    %add3A_93 = arith.addi %add3A_92, %reduce_sum3A_90 : i32
    %add3A_94 = arith.constant 0 : i32
    %add3A_95 = vector.broadcast %add3A_94 : i32 to vector<16xi32>
    %add3A_96 = arith.addi %iota3A, %add3A_95 : vector<16xi32>
    %lt3A_97 = vector.broadcast %reduce_sum3A_56 : i32 to vector<16xi32>
    %lt3A_98 = arith.cmpi slt, %add3A_96, %lt3A_97 : vector<16xi32>
    %add3A_99 = vector.broadcast %add3A_68 : i32 to vector<16xi32>
    %add3A_100 = arith.addi %add3A_99, %add3A_96 : vector<16xi32>
    %select_n3A_101 = arith.select %lt3A_98, %add3A_100, %broadcast_in_dim3A_36 : vector<16xi1>, vector<16xi32>
    %eq3A_102 = vector.broadcast %reduce_sum3A_56 : i32 to vector<16xi32>
    %eq3A_103 = arith.cmpi eq, %add3A_96, %eq3A_102 : vector<16xi32>
    %gt3A_104 = arith.constant 0 : i32
    %gt3A_105 = arith.cmpi sgt, %reduce_sum3A_79, %gt3A_104 : i32
    %and3A_106 = vector.broadcast %gt3A_105 : i1 to vector<16xi1>
    %and3A_107 = arith.andi %eq3A_103, %and3A_106 : vector<16xi1>
    %broadcast_in_dim3A_108 = vector.broadcast %add3A_93 : i32 to vector<16xi32>
    %select_n3A_109 = arith.select %and3A_107, %broadcast_in_dim3A_108, %select_n3A_101 : vector<16xi1>, vector<16xi32>
    %swap3A = arith.constant 0 : index
    %swap3A_110 = tpu.vector_load %arg10[%swap3A] {strides = array<i32>} : memref<256xi32, #tpu.memory_space<vmem>>, vector<16xi32>,
    tpu.vector_store %arg10[%swap3A], %select_n3A_109 {strides = array<i32>} : memref<256xi32, #tpu.memory_space<vmem>>, vector<16xi32>,
    %add3A_111 = arith.constant 16 : i32
    %add3A_112 = vector.broadcast %add3A_111 : i32 to vector<16xi32>
    %add3A_113 = arith.addi %iota3A, %add3A_112 : vector<16xi32>
    %lt3A_114 = vector.broadcast %reduce_sum3A_56 : i32 to vector<16xi32>
    %lt3A_115 = arith.cmpi slt, %add3A_113, %lt3A_114 : vector<16xi32>
    %add3A_116 = vector.broadcast %add3A_68 : i32 to vector<16xi32>
    %add3A_117 = arith.addi %add3A_116, %add3A_113 : vector<16xi32>
    %select_n3A_118 = arith.select %lt3A_115, %add3A_117, %broadcast_in_dim3A_36 : vector<16xi1>, vector<16xi32>
    %eq3A_119 = vector.broadcast %reduce_sum3A_56 : i32 to vector<16xi32>
    %eq3A_120 = arith.cmpi eq, %add3A_113, %eq3A_119 : vector<16xi32>
    %gt3A_121 = arith.constant 0 : i32
    %gt3A_122 = arith.cmpi sgt, %reduce_sum3A_79, %gt3A_121 : i32
    %and3A_123 = vector.broadcast %gt3A_122 : i1 to vector<16xi1>
    %and3A_124 = arith.andi %eq3A_120, %and3A_123 : vector<16xi1>
    %broadcast_in_dim3A_125 = vector.broadcast %add3A_93 : i32 to vector<16xi32>
    %select_n3A_126 = arith.select %and3A_124, %broadcast_in_dim3A_125, %select_n3A_118 : vector<16xi1>, vector<16xi32>
    %swap3A_127 = arith.constant 16 : index
    %swap3A_128 = tpu.vector_load %arg10[%swap3A_127] {strides = array<i32>} : memref<256xi32, #tpu.memory_space<vmem>>, vector<16xi32>,
    tpu.vector_store %arg10[%swap3A_127], %select_n3A_126 {strides = array<i32>} : memref<256xi32, #tpu.memory_space<vmem>>, vector<16xi32>,
    %add3A_129 = arith.constant 32 : i32
    %add3A_130 = vector.broadcast %add3A_129 : i32 to vector<16xi32>
    %add3A_131 = arith.addi %iota3A, %add3A_130 : vector<16xi32>
    %lt3A_132 = vector.broadcast %reduce_sum3A_56 : i32 to vector<16xi32>
    %lt3A_133 = arith.cmpi slt, %add3A_131, %lt3A_132 : vector<16xi32>
    %add3A_134 = vector.broadcast %add3A_68 : i32 to vector<16xi32>
    %add3A_135 = arith.addi %add3A_134, %add3A_131 : vector<16xi32>
    %select_n3A_136 = arith.select %lt3A_133, %add3A_135, %broadcast_in_dim3A_36 : vector<16xi1>, vector<16xi32>
    %eq3A_137 = vector.broadcast %reduce_sum3A_56 : i32 to vector<16xi32>
    %eq3A_138 = arith.cmpi eq, %add3A_131, %eq3A_137 : vector<16xi32>
    %gt3A_139 = arith.constant 0 : i32
    %gt3A_140 = arith.cmpi sgt, %reduce_sum3A_79, %gt3A_139 : i32
    %and3A_141 = vector.broadcast %gt3A_140 : i1 to vector<16xi1>
    %and3A_142 = arith.andi %eq3A_138, %and3A_141 : vector<16xi1>
    %broadcast_in_dim3A_143 = vector.broadcast %add3A_93 : i32 to vector<16xi32>
    %select_n3A_144 = arith.select %and3A_142, %broadcast_in_dim3A_143, %select_n3A_136 : vector<16xi1>, vector<16xi32>
    %swap3A_145 = arith.constant 32 : index
    %swap3A_146 = tpu.vector_load %arg10[%swap3A_145] {strides = array<i32>} : memref<256xi32, #tpu.memory_space<vmem>>, vector<16xi32>,
    tpu.vector_store %arg10[%swap3A_145], %select_n3A_144 {strides = array<i32>} : memref<256xi32, #tpu.memory_space<vmem>>, vector<16xi32>,
    %add3A_147 = arith.constant 48 : i32
    %add3A_148 = vector.broadcast %add3A_147 : i32 to vector<16xi32>
    %add3A_149 = arith.addi %iota3A, %add3A_148 : vector<16xi32>
    %lt3A_150 = vector.broadcast %reduce_sum3A_56 : i32 to vector<16xi32>
    %lt3A_151 = arith.cmpi slt, %add3A_149, %lt3A_150 : vector<16xi32>
    %add3A_152 = vector.broadcast %add3A_68 : i32 to vector<16xi32>
    %add3A_153 = arith.addi %add3A_152, %add3A_149 : vector<16xi32>
    %select_n3A_154 = arith.select %lt3A_151, %add3A_153, %broadcast_in_dim3A_36 : vector<16xi1>, vector<16xi32>
    %eq3A_155 = vector.broadcast %reduce_sum3A_56 : i32 to vector<16xi32>
    %eq3A_156 = arith.cmpi eq, %add3A_149, %eq3A_155 : vector<16xi32>
    %gt3A_157 = arith.constant 0 : i32
    %gt3A_158 = arith.cmpi sgt, %reduce_sum3A_79, %gt3A_157 : i32
    %and3A_159 = vector.broadcast %gt3A_158 : i1 to vector<16xi1>
    %and3A_160 = arith.andi %eq3A_156, %and3A_159 : vector<16xi1>
    %broadcast_in_dim3A_161 = vector.broadcast %add3A_93 : i32 to vector<16xi32>
    %select_n3A_162 = arith.select %and3A_160, %broadcast_in_dim3A_161, %select_n3A_154 : vector<16xi1>, vector<16xi32>
    %swap3A_163 = arith.constant 48 : index
    %swap3A_164 = tpu.vector_load %arg10[%swap3A_163] {strides = array<i32>} : memref<256xi32, #tpu.memory_space<vmem>>, vector<16xi32>,
    tpu.vector_store %arg10[%swap3A_163], %select_n3A_162 {strides = array<i32>} : memref<256xi32, #tpu.memory_space<vmem>>, vector<16xi32>,
    %add3A_165 = arith.constant 64 : i32
    %add3A_166 = vector.broadcast %add3A_165 : i32 to vector<16xi32>
    %add3A_167 = arith.addi %iota3A, %add3A_166 : vector<16xi32>
    %lt3A_168 = vector.broadcast %reduce_sum3A_56 : i32 to vector<16xi32>
    %lt3A_169 = arith.cmpi slt, %add3A_167, %lt3A_168 : vector<16xi32>
    %add3A_170 = vector.broadcast %add3A_68 : i32 to vector<16xi32>
    %add3A_171 = arith.addi %add3A_170, %add3A_167 : vector<16xi32>
    %select_n3A_172 = arith.select %lt3A_169, %add3A_171, %broadcast_in_dim3A_36 : vector<16xi1>, vector<16xi32>
    %eq3A_173 = vector.broadcast %reduce_sum3A_56 : i32 to vector<16xi32>
    %eq3A_174 = arith.cmpi eq, %add3A_167, %eq3A_173 : vector<16xi32>
    %gt3A_175 = arith.constant 0 : i32
    %gt3A_176 = arith.cmpi sgt, %reduce_sum3A_79, %gt3A_175 : i32
    %and3A_177 = vector.broadcast %gt3A_176 : i1 to vector<16xi1>
    %and3A_178 = arith.andi %eq3A_174, %and3A_177 : vector<16xi1>
    %broadcast_in_dim3A_179 = vector.broadcast %add3A_93 : i32 to vector<16xi32>
    %select_n3A_180 = arith.select %and3A_178, %broadcast_in_dim3A_179, %select_n3A_172 : vector<16xi1>, vector<16xi32>
    %swap3A_181 = arith.constant 64 : index
    %swap3A_182 = tpu.vector_load %arg10[%swap3A_181] {strides = array<i32>} : memref<256xi32, #tpu.memory_space<vmem>>, vector<16xi32>,
    tpu.vector_store %arg10[%swap3A_181], %select_n3A_180 {strides = array<i32>} : memref<256xi32, #tpu.memory_space<vmem>>, vector<16xi32>,
    %add3A_183 = arith.constant 80 : i32
    %add3A_184 = vector.broadcast %add3A_183 : i32 to vector<16xi32>
    %add3A_185 = arith.addi %iota3A, %add3A_184 : vector<16xi32>
    %lt3A_186 = vector.broadcast %reduce_sum3A_56 : i32 to vector<16xi32>
    %lt3A_187 = arith.cmpi slt, %add3A_185, %lt3A_186 : vector<16xi32>
    %add3A_188 = vector.broadcast %add3A_68 : i32 to vector<16xi32>
    %add3A_189 = arith.addi %add3A_188, %add3A_185 : vector<16xi32>
    %select_n3A_190 = arith.select %lt3A_187, %add3A_189, %broadcast_in_dim3A_36 : vector<16xi1>, vector<16xi32>
    %eq3A_191 = vector.broadcast %reduce_sum3A_56 : i32 to vector<16xi32>
    %eq3A_192 = arith.cmpi eq, %add3A_185, %eq3A_191 : vector<16xi32>
    %gt3A_193 = arith.constant 0 : i32
    %gt3A_194 = arith.cmpi sgt, %reduce_sum3A_79, %gt3A_193 : i32
    %and3A_195 = vector.broadcast %gt3A_194 : i1 to vector<16xi1>
    %and3A_196 = arith.andi %eq3A_192, %and3A_195 : vector<16xi1>
    %broadcast_in_dim3A_197 = vector.broadcast %add3A_93 : i32 to vector<16xi32>
    %select_n3A_198 = arith.select %and3A_196, %broadcast_in_dim3A_197, %select_n3A_190 : vector<16xi1>, vector<16xi32>
    %swap3A_199 = arith.constant 80 : index
    %swap3A_200 = tpu.vector_load %arg10[%swap3A_199] {strides = array<i32>} : memref<256xi32, #tpu.memory_space<vmem>>, vector<16xi32>,
    tpu.vector_store %arg10[%swap3A_199], %select_n3A_198 {strides = array<i32>} : memref<256xi32, #tpu.memory_space<vmem>>, vector<16xi32>,
    %add3A_201 = arith.constant 96 : i32
    %add3A_202 = vector.broadcast %add3A_201 : i32 to vector<16xi32>
    %add3A_203 = arith.addi %iota3A, %add3A_202 : vector<16xi32>
    %lt3A_204 = vector.broadcast %reduce_sum3A_56 : i32 to vector<16xi32>
    %lt3A_205 = arith.cmpi slt, %add3A_203, %lt3A_204 : vector<16xi32>
    %add3A_206 = vector.broadcast %add3A_68 : i32 to vector<16xi32>
    %add3A_207 = arith.addi %add3A_206, %add3A_203 : vector<16xi32>
    %select_n3A_208 = arith.select %lt3A_205, %add3A_207, %broadcast_in_dim3A_36 : vector<16xi1>, vector<16xi32>
    %eq3A_209 = vector.broadcast %reduce_sum3A_56 : i32 to vector<16xi32>
    %eq3A_210 = arith.cmpi eq, %add3A_203, %eq3A_209 : vector<16xi32>
    %gt3A_211 = arith.constant 0 : i32
    %gt3A_212 = arith.cmpi sgt, %reduce_sum3A_79, %gt3A_211 : i32
    %and3A_213 = vector.broadcast %gt3A_212 : i1 to vector<16xi1>
    %and3A_214 = arith.andi %eq3A_210, %and3A_213 : vector<16xi1>
    %broadcast_in_dim3A_215 = vector.broadcast %add3A_93 : i32 to vector<16xi32>
    %select_n3A_216 = arith.select %and3A_214, %broadcast_in_dim3A_215, %select_n3A_208 : vector<16xi1>, vector<16xi32>
    %swap3A_217 = arith.constant 96 : index
    %swap3A_218 = tpu.vector_load %arg10[%swap3A_217] {strides = array<i32>} : memref<256xi32, #tpu.memory_space<vmem>>, vector<16xi32>,
    tpu.vector_store %arg10[%swap3A_217], %select_n3A_216 {strides = array<i32>} : memref<256xi32, #tpu.memory_space<vmem>>, vector<16xi32>,
    %add3A_219 = arith.constant 112 : i32
    %add3A_220 = vector.broadcast %add3A_219 : i32 to vector<16xi32>
    %add3A_221 = arith.addi %iota3A, %add3A_220 : vector<16xi32>
    %lt3A_222 = vector.broadcast %reduce_sum3A_56 : i32 to vector<16xi32>
    %lt3A_223 = arith.cmpi slt, %add3A_221, %lt3A_222 : vector<16xi32>
    %add3A_224 = vector.broadcast %add3A_68 : i32 to vector<16xi32>
    %add3A_225 = arith.addi %add3A_224, %add3A_221 : vector<16xi32>
    %select_n3A_226 = arith.select %lt3A_223, %add3A_225, %broadcast_in_dim3A_36 : vector<16xi1>, vector<16xi32>
    %eq3A_227 = vector.broadcast %reduce_sum3A_56 : i32 to vector<16xi32>
    %eq3A_228 = arith.cmpi eq, %add3A_221, %eq3A_227 : vector<16xi32>
    %gt3A_229 = arith.constant 0 : i32
    %gt3A_230 = arith.cmpi sgt, %reduce_sum3A_79, %gt3A_229 : i32
    %and3A_231 = vector.broadcast %gt3A_230 : i1 to vector<16xi1>
    %and3A_232 = arith.andi %eq3A_228, %and3A_231 : vector<16xi1>
    %broadcast_in_dim3A_233 = vector.broadcast %add3A_93 : i32 to vector<16xi32>
    %select_n3A_234 = arith.select %and3A_232, %broadcast_in_dim3A_233, %select_n3A_226 : vector<16xi1>, vector<16xi32>
    %swap3A_235 = arith.constant 112 : index
    %swap3A_236 = tpu.vector_load %arg10[%swap3A_235] {strides = array<i32>} : memref<256xi32, #tpu.memory_space<vmem>>, vector<16xi32>,
    tpu.vector_store %arg10[%swap3A_235], %select_n3A_234 {strides = array<i32>} : memref<256xi32, #tpu.memory_space<vmem>>, vector<16xi32>,
    %add3A_237 = arith.constant 128 : i32
    %add3A_238 = vector.broadcast %add3A_237 : i32 to vector<16xi32>
    %add3A_239 = arith.addi %iota3A, %add3A_238 : vector<16xi32>
    %lt3A_240 = vector.broadcast %reduce_sum3A_56 : i32 to vector<16xi32>
    %lt3A_241 = arith.cmpi slt, %add3A_239, %lt3A_240 : vector<16xi32>
    %add3A_242 = vector.broadcast %add3A_68 : i32 to vector<16xi32>
    %add3A_243 = arith.addi %add3A_242, %add3A_239 : vector<16xi32>
    %select_n3A_244 = arith.select %lt3A_241, %add3A_243, %broadcast_in_dim3A_36 : vector<16xi1>, vector<16xi32>
    %eq3A_245 = vector.broadcast %reduce_sum3A_56 : i32 to vector<16xi32>
    %eq3A_246 = arith.cmpi eq, %add3A_239, %eq3A_245 : vector<16xi32>
    %gt3A_247 = arith.constant 0 : i32
    %gt3A_248 = arith.cmpi sgt, %reduce_sum3A_79, %gt3A_247 : i32
    %and3A_249 = vector.broadcast %gt3A_248 : i1 to vector<16xi1>
    %and3A_250 = arith.andi %eq3A_246, %and3A_249 : vector<16xi1>
    %broadcast_in_dim3A_251 = vector.broadcast %add3A_93 : i32 to vector<16xi32>
    %select_n3A_252 = arith.select %and3A_250, %broadcast_in_dim3A_251, %select_n3A_244 : vector<16xi1>, vector<16xi32>
    %swap3A_253 = arith.constant 128 : index
    %swap3A_254 = tpu.vector_load %arg10[%swap3A_253] {strides = array<i32>} : memref<256xi32, #tpu.memory_space<vmem>>, vector<16xi32>,
    tpu.vector_store %arg10[%swap3A_253], %select_n3A_252 {strides = array<i32>} : memref<256xi32, #tpu.memory_space<vmem>>, vector<16xi32>,
    %add3A_255 = arith.constant 144 : i32
    %add3A_256 = vector.broadcast %add3A_255 : i32 to vector<16xi32>
    %add3A_257 = arith.addi %iota3A, %add3A_256 : vector<16xi32>
    %lt3A_258 = vector.broadcast %reduce_sum3A_56 : i32 to vector<16xi32>
    %lt3A_259 = arith.cmpi slt, %add3A_257, %lt3A_258 : vector<16xi32>
    %add3A_260 = vector.broadcast %add3A_68 : i32 to vector<16xi32>
    %add3A_261 = arith.addi %add3A_260, %add3A_257 : vector<16xi32>
    %select_n3A_262 = arith.select %lt3A_259, %add3A_261, %broadcast_in_dim3A_36 : vector<16xi1>, vector<16xi32>
    %eq3A_263 = vector.broadcast %reduce_sum3A_56 : i32 to vector<16xi32>
    %eq3A_264 = arith.cmpi eq, %add3A_257, %eq3A_263 : vector<16xi32>
    %gt3A_265 = arith.constant 0 : i32
    %gt3A_266 = arith.cmpi sgt, %reduce_sum3A_79, %gt3A_265 : i32
    %and3A_267 = vector.broadcast %gt3A_266 : i1 to vector<16xi1>
    %and3A_268 = arith.andi %eq3A_264, %and3A_267 : vector<16xi1>
    %broadcast_in_dim3A_269 = vector.broadcast %add3A_93 : i32 to vector<16xi32>
    %select_n3A_270 = arith.select %and3A_268, %broadcast_in_dim3A_269, %select_n3A_262 : vector<16xi1>, vector<16xi32>
    %swap3A_271 = arith.constant 144 : index
    %swap3A_272 = tpu.vector_load %arg10[%swap3A_271] {strides = array<i32>} : memref<256xi32, #tpu.memory_space<vmem>>, vector<16xi32>,
    tpu.vector_store %arg10[%swap3A_271], %select_n3A_270 {strides = array<i32>} : memref<256xi32, #tpu.memory_space<vmem>>, vector<16xi32>,
    %add3A_273 = arith.constant 160 : i32
    %add3A_274 = vector.broadcast %add3A_273 : i32 to vector<16xi32>
    %add3A_275 = arith.addi %iota3A, %add3A_274 : vector<16xi32>
    %lt3A_276 = vector.broadcast %reduce_sum3A_56 : i32 to vector<16xi32>
    %lt3A_277 = arith.cmpi slt, %add3A_275, %lt3A_276 : vector<16xi32>
    %add3A_278 = vector.broadcast %add3A_68 : i32 to vector<16xi32>
    %add3A_279 = arith.addi %add3A_278, %add3A_275 : vector<16xi32>
    %select_n3A_280 = arith.select %lt3A_277, %add3A_279, %broadcast_in_dim3A_36 : vector<16xi1>, vector<16xi32>
    %eq3A_281 = vector.broadcast %reduce_sum3A_56 : i32 to vector<16xi32>
    %eq3A_282 = arith.cmpi eq, %add3A_275, %eq3A_281 : vector<16xi32>
    %gt3A_283 = arith.constant 0 : i32
    %gt3A_284 = arith.cmpi sgt, %reduce_sum3A_79, %gt3A_283 : i32
    %and3A_285 = vector.broadcast %gt3A_284 : i1 to vector<16xi1>
    %and3A_286 = arith.andi %eq3A_282, %and3A_285 : vector<16xi1>
    %broadcast_in_dim3A_287 = vector.broadcast %add3A_93 : i32 to vector<16xi32>
    %select_n3A_288 = arith.select %and3A_286, %broadcast_in_dim3A_287, %select_n3A_280 : vector<16xi1>, vector<16xi32>
    %swap3A_289 = arith.constant 160 : index
    %swap3A_290 = tpu.vector_load %arg10[%swap3A_289] {strides = array<i32>} : memref<256xi32, #tpu.memory_space<vmem>>, vector<16xi32>,
    tpu.vector_store %arg10[%swap3A_289], %select_n3A_288 {strides = array<i32>} : memref<256xi32, #tpu.memory_space<vmem>>, vector<16xi32>,
    %add3A_291 = arith.constant 176 : i32
    %add3A_292 = vector.broadcast %add3A_291 : i32 to vector<16xi32>
    %add3A_293 = arith.addi %iota3A, %add3A_292 : vector<16xi32>
    %lt3A_294 = vector.broadcast %reduce_sum3A_56 : i32 to vector<16xi32>
    %lt3A_295 = arith.cmpi slt, %add3A_293, %lt3A_294 : vector<16xi32>
    %add3A_296 = vector.broadcast %add3A_68 : i32 to vector<16xi32>
    %add3A_297 = arith.addi %add3A_296, %add3A_293 : vector<16xi32>
    %select_n3A_298 = arith.select %lt3A_295, %add3A_297, %broadcast_in_dim3A_36 : vector<16xi1>, vector<16xi32>
    %eq3A_299 = vector.broadcast %reduce_sum3A_56 : i32 to vector<16xi32>
    %eq3A_300 = arith.cmpi eq, %add3A_293, %eq3A_299 : vector<16xi32>
    %gt3A_301 = arith.constant 0 : i32
    %gt3A_302 = arith.cmpi sgt, %reduce_sum3A_79, %gt3A_301 : i32
    %and3A_303 = vector.broadcast %gt3A_302 : i1 to vector<16xi1>
    %and3A_304 = arith.andi %eq3A_300, %and3A_303 : vector<16xi1>
    %broadcast_in_dim3A_305 = vector.broadcast %add3A_93 : i32 to vector<16xi32>
    %select_n3A_306 = arith.select %and3A_304, %broadcast_in_dim3A_305, %select_n3A_298 : vector<16xi1>, vector<16xi32>
    %swap3A_307 = arith.constant 176 : index
    %swap3A_308 = tpu.vector_load %arg10[%swap3A_307] {strides = array<i32>} : memref<256xi32, #tpu.memory_space<vmem>>, vector<16xi32>,
    tpu.vector_store %arg10[%swap3A_307], %select_n3A_306 {strides = array<i32>} : memref<256xi32, #tpu.memory_space<vmem>>, vector<16xi32>,
    %add3A_309 = arith.constant 192 : i32
    %add3A_310 = vector.broadcast %add3A_309 : i32 to vector<16xi32>
    %add3A_311 = arith.addi %iota3A, %add3A_310 : vector<16xi32>
    %lt3A_312 = vector.broadcast %reduce_sum3A_56 : i32 to vector<16xi32>
    %lt3A_313 = arith.cmpi slt, %add3A_311, %lt3A_312 : vector<16xi32>
    %add3A_314 = vector.broadcast %add3A_68 : i32 to vector<16xi32>
    %add3A_315 = arith.addi %add3A_314, %add3A_311 : vector<16xi32>
    %select_n3A_316 = arith.select %lt3A_313, %add3A_315, %broadcast_in_dim3A_36 : vector<16xi1>, vector<16xi32>
    %eq3A_317 = vector.broadcast %reduce_sum3A_56 : i32 to vector<16xi32>
    %eq3A_318 = arith.cmpi eq, %add3A_311, %eq3A_317 : vector<16xi32>
    %gt3A_319 = arith.constant 0 : i32
    %gt3A_320 = arith.cmpi sgt, %reduce_sum3A_79, %gt3A_319 : i32
    %and3A_321 = vector.broadcast %gt3A_320 : i1 to vector<16xi1>
    %and3A_322 = arith.andi %eq3A_318, %and3A_321 : vector<16xi1>
    %broadcast_in_dim3A_323 = vector.broadcast %add3A_93 : i32 to vector<16xi32>
    %select_n3A_324 = arith.select %and3A_322, %broadcast_in_dim3A_323, %select_n3A_316 : vector<16xi1>, vector<16xi32>
    %swap3A_325 = arith.constant 192 : index
    %swap3A_326 = tpu.vector_load %arg10[%swap3A_325] {strides = array<i32>} : memref<256xi32, #tpu.memory_space<vmem>>, vector<16xi32>,
    tpu.vector_store %arg10[%swap3A_325], %select_n3A_324 {strides = array<i32>} : memref<256xi32, #tpu.memory_space<vmem>>, vector<16xi32>,
    %add3A_327 = arith.constant 208 : i32
    %add3A_328 = vector.broadcast %add3A_327 : i32 to vector<16xi32>
    %add3A_329 = arith.addi %iota3A, %add3A_328 : vector<16xi32>
    %lt3A_330 = vector.broadcast %reduce_sum3A_56 : i32 to vector<16xi32>
    %lt3A_331 = arith.cmpi slt, %add3A_329, %lt3A_330 : vector<16xi32>
    %add3A_332 = vector.broadcast %add3A_68 : i32 to vector<16xi32>
    %add3A_333 = arith.addi %add3A_332, %add3A_329 : vector<16xi32>
    %select_n3A_334 = arith.select %lt3A_331, %add3A_333, %broadcast_in_dim3A_36 : vector<16xi1>, vector<16xi32>
    %eq3A_335 = vector.broadcast %reduce_sum3A_56 : i32 to vector<16xi32>
    %eq3A_336 = arith.cmpi eq, %add3A_329, %eq3A_335 : vector<16xi32>
    %gt3A_337 = arith.constant 0 : i32
    %gt3A_338 = arith.cmpi sgt, %reduce_sum3A_79, %gt3A_337 : i32
    %and3A_339 = vector.broadcast %gt3A_338 : i1 to vector<16xi1>
    %and3A_340 = arith.andi %eq3A_336, %and3A_339 : vector<16xi1>
    %broadcast_in_dim3A_341 = vector.broadcast %add3A_93 : i32 to vector<16xi32>
    %select_n3A_342 = arith.select %and3A_340, %broadcast_in_dim3A_341, %select_n3A_334 : vector<16xi1>, vector<16xi32>
    %swap3A_343 = arith.constant 208 : index
    %swap3A_344 = tpu.vector_load %arg10[%swap3A_343] {strides = array<i32>} : memref<256xi32, #tpu.memory_space<vmem>>, vector<16xi32>,
    tpu.vector_store %arg10[%swap3A_343], %select_n3A_342 {strides = array<i32>} : memref<256xi32, #tpu.memory_space<vmem>>, vector<16xi32>,
    %add3A_345 = arith.constant 224 : i32
    %add3A_346 = vector.broadcast %add3A_345 : i32 to vector<16xi32>
    %add3A_347 = arith.addi %iota3A, %add3A_346 : vector<16xi32>
    %lt3A_348 = vector.broadcast %reduce_sum3A_56 : i32 to vector<16xi32>
    %lt3A_349 = arith.cmpi slt, %add3A_347, %lt3A_348 : vector<16xi32>
    %add3A_350 = vector.broadcast %add3A_68 : i32 to vector<16xi32>
    %add3A_351 = arith.addi %add3A_350, %add3A_347 : vector<16xi32>
    %select_n3A_352 = arith.select %lt3A_349, %add3A_351, %broadcast_in_dim3A_36 : vector<16xi1>, vector<16xi32>
    %eq3A_353 = vector.broadcast %reduce_sum3A_56 : i32 to vector<16xi32>
    %eq3A_354 = arith.cmpi eq, %add3A_347, %eq3A_353 : vector<16xi32>
    %gt3A_355 = arith.constant 0 : i32
    %gt3A_356 = arith.cmpi sgt, %reduce_sum3A_79, %gt3A_355 : i32
    %and3A_357 = vector.broadcast %gt3A_356 : i1 to vector<16xi1>
    %and3A_358 = arith.andi %eq3A_354, %and3A_357 : vector<16xi1>
    %broadcast_in_dim3A_359 = vector.broadcast %add3A_93 : i32 to vector<16xi32>
    %select_n3A_360 = arith.select %and3A_358, %broadcast_in_dim3A_359, %select_n3A_352 : vector<16xi1>, vector<16xi32>
    %swap3A_361 = arith.constant 224 : index
    %swap3A_362 = tpu.vector_load %arg10[%swap3A_361] {strides = array<i32>} : memref<256xi32, #tpu.memory_space<vmem>>, vector<16xi32>,
    tpu.vector_store %arg10[%swap3A_361], %select_n3A_360 {strides = array<i32>} : memref<256xi32, #tpu.memory_space<vmem>>, vector<16xi32>,
    %add3A_363 = arith.constant 240 : i32
    %add3A_364 = vector.broadcast %add3A_363 : i32 to vector<16xi32>
    %add3A_365 = arith.addi %iota3A, %add3A_364 : vector<16xi32>
    %lt3A_366 = vector.broadcast %reduce_sum3A_56 : i32 to vector<16xi32>
    %lt3A_367 = arith.cmpi slt, %add3A_365, %lt3A_366 : vector<16xi32>
    %add3A_368 = vector.broadcast %add3A_68 : i32 to vector<16xi32>
    %add3A_369 = arith.addi %add3A_368, %add3A_365 : vector<16xi32>
    %select_n3A_370 = arith.select %lt3A_367, %add3A_369, %broadcast_in_dim3A_36 : vector<16xi1>, vector<16xi32>
    %eq3A_371 = vector.broadcast %reduce_sum3A_56 : i32 to vector<16xi32>
    %eq3A_372 = arith.cmpi eq, %add3A_365, %eq3A_371 : vector<16xi32>
    %gt3A_373 = arith.constant 0 : i32
    %gt3A_374 = arith.cmpi sgt, %reduce_sum3A_79, %gt3A_373 : i32
    %and3A_375 = vector.broadcast %gt3A_374 : i1 to vector<16xi1>
    %and3A_376 = arith.andi %eq3A_372, %and3A_375 : vector<16xi1>
    %broadcast_in_dim3A_377 = vector.broadcast %add3A_93 : i32 to vector<16xi32>
    %select_n3A_378 = arith.select %and3A_376, %broadcast_in_dim3A_377, %select_n3A_370 : vector<16xi1>, vector<16xi32>
    %swap3A_379 = arith.constant 240 : index
    %swap3A_380 = tpu.vector_load %arg10[%swap3A_379] {strides = array<i32>} : memref<256xi32, #tpu.memory_space<vmem>>, vector<16xi32>,
    tpu.vector_store %arg10[%swap3A_379], %select_n3A_378 {strides = array<i32>} : memref<256xi32, #tpu.memory_space<vmem>>, vector<16xi32>,
    %dma_start3A = arith.constant 0 : i32
    %dma_start3A_381 = tpu.memref_slice %arg4[%add3A, %dma_start3A] : memref<32x256xi32, #tpu.memory_space<hbm>> -> memref<1x256xi32, #tpu.memory_space<hbm>>
    %dma_start3A_382 = tpu.memref_squeeze %dma_start3A_381 : memref<1x256xi32, #tpu.memory_space<hbm>> -> memref<256xi32, #tpu.memory_space<hbm>>
    %dma_start3A_383 = arith.constant 0 : i32
    %dma_start3A_384 = tpu.memref_slice %arg4[%add3A, %dma_start3A_383] : memref<32x256xi32, #tpu.memory_space<hbm>> -> memref<1x256xi32, #tpu.memory_space<hbm>>
    %dma_start3A_385 = tpu.memref_squeeze %dma_start3A_384 : memref<1x256xi32, #tpu.memory_space<hbm>> -> memref<256xi32, #tpu.memory_space<hbm>>
    tpu.enqueue_dma source(%arg10 : memref<256xi32, #tpu.memory_space<vmem>>) target(%dma_start3A_385 : memref<256xi32, #tpu.memory_space<hbm>>) target_semaphore(%arg16 : memref<!tpu.dma_semaphore, #tpu.memory_space<semaphore_mem>>)
    %mul3A_386 = arith.constant 256 : i32
    %mul3A_387 = arith.muli %add3A, %mul3A_386 : i32
    %add3A_388 = arith.constant 0 : i32
    %add3A_389 = arith.addi %mul3A_387, %add3A_388 : i32
    %add3A_390 = vector.broadcast %add3A_389 : i32 to vector<16xi32>
    %add3A_391 = arith.addi %add3A_390, %iota3A : vector<16xi32>
    %ge3A = arith.constant 1 : i32
    %ge3A_392 = vector.broadcast %ge3A : i32 to vector<16xi32>
    %ge3A_393 = arith.cmpi sge, %add3A_391, %ge3A_392 : vector<16xi32>
    %le3A = vector.broadcast %add3A_46 : i32 to vector<16xi32>
    %le3A_394 = arith.cmpi sle, %add3A_391, %le3A : vector<16xi32>
    %and3A_395 = arith.andi %ge3A_393, %le3A_394 : vector<16xi1>
    %convert_element_type3A_396 = arith.extui %and3A_395 : vector<16xi1> to vector<16xi32>
    %swap3A_397 = arith.constant 0 : index
    %swap3A_398 = tpu.vector_load %arg11[%swap3A_397] {strides = array<i32>} : memref<256xi32, #tpu.memory_space<vmem>>, vector<16xi32>,
    tpu.vector_store %arg11[%swap3A_397], %convert_element_type3A_396 {strides = array<i32>} : memref<256xi32, #tpu.memory_space<vmem>>, vector<16xi32>,
    %add3A_399 = arith.constant 16 : i32
    %add3A_400 = arith.addi %mul3A_387, %add3A_399 : i32
    %add3A_401 = vector.broadcast %add3A_400 : i32 to vector<16xi32>
    %add3A_402 = arith.addi %add3A_401, %iota3A : vector<16xi32>
    %ge3A_403 = arith.constant 1 : i32
    %ge3A_404 = vector.broadcast %ge3A_403 : i32 to vector<16xi32>
    %ge3A_405 = arith.cmpi sge, %add3A_402, %ge3A_404 : vector<16xi32>
    %le3A_406 = vector.broadcast %add3A_46 : i32 to vector<16xi32>
    %le3A_407 = arith.cmpi sle, %add3A_402, %le3A_406 : vector<16xi32>
    %and3A_408 = arith.andi %ge3A_405, %le3A_407 : vector<16xi1>
    %convert_element_type3A_409 = arith.extui %and3A_408 : vector<16xi1> to vector<16xi32>
    %swap3A_410 = arith.constant 16 : index
    %swap3A_411 = tpu.vector_load %arg11[%swap3A_410] {strides = array<i32>} : memref<256xi32, #tpu.memory_space<vmem>>, vector<16xi32>,
    tpu.vector_store %arg11[%swap3A_410], %convert_element_type3A_409 {strides = array<i32>} : memref<256xi32, #tpu.memory_space<vmem>>, vector<16xi32>,
    %add3A_412 = arith.constant 32 : i32
    %add3A_413 = arith.addi %mul3A_387, %add3A_412 : i32
    %add3A_414 = vector.broadcast %add3A_413 : i32 to vector<16xi32>
    %add3A_415 = arith.addi %add3A_414, %iota3A : vector<16xi32>
    %ge3A_416 = arith.constant 1 : i32
    %ge3A_417 = vector.broadcast %ge3A_416 : i32 to vector<16xi32>
    %ge3A_418 = arith.cmpi sge, %add3A_415, %ge3A_417 : vector<16xi32>
    %le3A_419 = vector.broadcast %add3A_46 : i32 to vector<16xi32>
    %le3A_420 = arith.cmpi sle, %add3A_415, %le3A_419 : vector<16xi32>
    %and3A_421 = arith.andi %ge3A_418, %le3A_420 : vector<16xi1>
    %convert_element_type3A_422 = arith.extui %and3A_421 : vector<16xi1> to vector<16xi32>
    %swap3A_423 = arith.constant 32 : index
    %swap3A_424 = tpu.vector_load %arg11[%swap3A_423] {strides = array<i32>} : memref<256xi32, #tpu.memory_space<vmem>>, vector<16xi32>,
    tpu.vector_store %arg11[%swap3A_423], %convert_element_type3A_422 {strides = array<i32>} : memref<256xi32, #tpu.memory_space<vmem>>, vector<16xi32>,
    %add3A_425 = arith.constant 48 : i32
    %add3A_426 = arith.addi %mul3A_387, %add3A_425 : i32
    %add3A_427 = vector.broadcast %add3A_426 : i32 to vector<16xi32>
    %add3A_428 = arith.addi %add3A_427, %iota3A : vector<16xi32>
    %ge3A_429 = arith.constant 1 : i32
    %ge3A_430 = vector.broadcast %ge3A_429 : i32 to vector<16xi32>
    %ge3A_431 = arith.cmpi sge, %add3A_428, %ge3A_430 : vector<16xi32>
    %le3A_432 = vector.broadcast %add3A_46 : i32 to vector<16xi32>
    %le3A_433 = arith.cmpi sle, %add3A_428, %le3A_432 : vector<16xi32>
    %and3A_434 = arith.andi %ge3A_431, %le3A_433 : vector<16xi1>
    %convert_element_type3A_435 = arith.extui %and3A_434 : vector<16xi1> to vector<16xi32>
    %swap3A_436 = arith.constant 48 : index
    %swap3A_437 = tpu.vector_load %arg11[%swap3A_436] {strides = array<i32>} : memref<256xi32, #tpu.memory_space<vmem>>, vector<16xi32>,
    tpu.vector_store %arg11[%swap3A_436], %convert_element_type3A_435 {strides = array<i32>} : memref<256xi32, #tpu.memory_space<vmem>>, vector<16xi32>,
    %add3A_438 = arith.constant 64 : i32
    %add3A_439 = arith.addi %mul3A_387, %add3A_438 : i32
    %add3A_440 = vector.broadcast %add3A_439 : i32 to vector<16xi32>
    %add3A_441 = arith.addi %add3A_440, %iota3A : vector<16xi32>
    %ge3A_442 = arith.constant 1 : i32
    %ge3A_443 = vector.broadcast %ge3A_442 : i32 to vector<16xi32>
    %ge3A_444 = arith.cmpi sge, %add3A_441, %ge3A_443 : vector<16xi32>
    %le3A_445 = vector.broadcast %add3A_46 : i32 to vector<16xi32>
    %le3A_446 = arith.cmpi sle, %add3A_441, %le3A_445 : vector<16xi32>
    %and3A_447 = arith.andi %ge3A_444, %le3A_446 : vector<16xi1>
    %convert_element_type3A_448 = arith.extui %and3A_447 : vector<16xi1> to vector<16xi32>
    %swap3A_449 = arith.constant 64 : index
    %swap3A_450 = tpu.vector_load %arg11[%swap3A_449] {strides = array<i32>} : memref<256xi32, #tpu.memory_space<vmem>>, vector<16xi32>,
    tpu.vector_store %arg11[%swap3A_449], %convert_element_type3A_448 {strides = array<i32>} : memref<256xi32, #tpu.memory_space<vmem>>, vector<16xi32>,
    %add3A_451 = arith.constant 80 : i32
    %add3A_452 = arith.addi %mul3A_387, %add3A_451 : i32
    %add3A_453 = vector.broadcast %add3A_452 : i32 to vector<16xi32>
    %add3A_454 = arith.addi %add3A_453, %iota3A : vector<16xi32>
    %ge3A_455 = arith.constant 1 : i32
    %ge3A_456 = vector.broadcast %ge3A_455 : i32 to vector<16xi32>
    %ge3A_457 = arith.cmpi sge, %add3A_454, %ge3A_456 : vector<16xi32>
    %le3A_458 = vector.broadcast %add3A_46 : i32 to vector<16xi32>
    %le3A_459 = arith.cmpi sle, %add3A_454, %le3A_458 : vector<16xi32>
    %and3A_460 = arith.andi %ge3A_457, %le3A_459 : vector<16xi1>
    %convert_element_type3A_461 = arith.extui %and3A_460 : vector<16xi1> to vector<16xi32>
    %swap3A_462 = arith.constant 80 : index
    %swap3A_463 = tpu.vector_load %arg11[%swap3A_462] {strides = array<i32>} : memref<256xi32, #tpu.memory_space<vmem>>, vector<16xi32>,
    tpu.vector_store %arg11[%swap3A_462], %convert_element_type3A_461 {strides = array<i32>} : memref<256xi32, #tpu.memory_space<vmem>>, vector<16xi32>,
    %add3A_464 = arith.constant 96 : i32
    %add3A_465 = arith.addi %mul3A_387, %add3A_464 : i32
    %add3A_466 = vector.broadcast %add3A_465 : i32 to vector<16xi32>
    %add3A_467 = arith.addi %add3A_466, %iota3A : vector<16xi32>
    %ge3A_468 = arith.constant 1 : i32
    %ge3A_469 = vector.broadcast %ge3A_468 : i32 to vector<16xi32>
    %ge3A_470 = arith.cmpi sge, %add3A_467, %ge3A_469 : vector<16xi32>
    %le3A_471 = vector.broadcast %add3A_46 : i32 to vector<16xi32>
    %le3A_472 = arith.cmpi sle, %add3A_467, %le3A_471 : vector<16xi32>
    %and3A_473 = arith.andi %ge3A_470, %le3A_472 : vector<16xi1>
    %convert_element_type3A_474 = arith.extui %and3A_473 : vector<16xi1> to vector<16xi32>
    %swap3A_475 = arith.constant 96 : index
    %swap3A_476 = tpu.vector_load %arg11[%swap3A_475] {strides = array<i32>} : memref<256xi32, #tpu.memory_space<vmem>>, vector<16xi32>,
    tpu.vector_store %arg11[%swap3A_475], %convert_element_type3A_474 {strides = array<i32>} : memref<256xi32, #tpu.memory_space<vmem>>, vector<16xi32>,
    %add3A_477 = arith.constant 112 : i32
    %add3A_478 = arith.addi %mul3A_387, %add3A_477 : i32
    %add3A_479 = vector.broadcast %add3A_478 : i32 to vector<16xi32>
    %add3A_480 = arith.addi %add3A_479, %iota3A : vector<16xi32>
    %ge3A_481 = arith.constant 1 : i32
    %ge3A_482 = vector.broadcast %ge3A_481 : i32 to vector<16xi32>
    %ge3A_483 = arith.cmpi sge, %add3A_480, %ge3A_482 : vector<16xi32>
    %le3A_484 = vector.broadcast %add3A_46 : i32 to vector<16xi32>
    %le3A_485 = arith.cmpi sle, %add3A_480, %le3A_484 : vector<16xi32>
    %and3A_486 = arith.andi %ge3A_483, %le3A_485 : vector<16xi1>
    %convert_element_type3A_487 = arith.extui %and3A_486 : vector<16xi1> to vector<16xi32>
    %swap3A_488 = arith.constant 112 : index
    %swap3A_489 = tpu.vector_load %arg11[%swap3A_488] {strides = array<i32>} : memref<256xi32, #tpu.memory_space<vmem>>, vector<16xi32>,
    tpu.vector_store %arg11[%swap3A_488], %convert_element_type3A_487 {strides = array<i32>} : memref<256xi32, #tpu.memory_space<vmem>>, vector<16xi32>,
    %add3A_490 = arith.constant 128 : i32
    %add3A_491 = arith.addi %mul3A_387, %add3A_490 : i32
    %add3A_492 = vector.broadcast %add3A_491 : i32 to vector<16xi32>
    %add3A_493 = arith.addi %add3A_492, %iota3A : vector<16xi32>
    %ge3A_494 = arith.constant 1 : i32
    %ge3A_495 = vector.broadcast %ge3A_494 : i32 to vector<16xi32>
    %ge3A_496 = arith.cmpi sge, %add3A_493, %ge3A_495 : vector<16xi32>
    %le3A_497 = vector.broadcast %add3A_46 : i32 to vector<16xi32>
    %le3A_498 = arith.cmpi sle, %add3A_493, %le3A_497 : vector<16xi32>
    %and3A_499 = arith.andi %ge3A_496, %le3A_498 : vector<16xi1>
    %convert_element_type3A_500 = arith.extui %and3A_499 : vector<16xi1> to vector<16xi32>
    %swap3A_501 = arith.constant 128 : index
    %swap3A_502 = tpu.vector_load %arg11[%swap3A_501] {strides = array<i32>} : memref<256xi32, #tpu.memory_space<vmem>>, vector<16xi32>,
    tpu.vector_store %arg11[%swap3A_501], %convert_element_type3A_500 {strides = array<i32>} : memref<256xi32, #tpu.memory_space<vmem>>, vector<16xi32>,
    %add3A_503 = arith.constant 144 : i32
    %add3A_504 = arith.addi %mul3A_387, %add3A_503 : i32
    %add3A_505 = vector.broadcast %add3A_504 : i32 to vector<16xi32>
    %add3A_506 = arith.addi %add3A_505, %iota3A : vector<16xi32>
    %ge3A_507 = arith.constant 1 : i32
    %ge3A_508 = vector.broadcast %ge3A_507 : i32 to vector<16xi32>
    %ge3A_509 = arith.cmpi sge, %add3A_506, %ge3A_508 : vector<16xi32>
    %le3A_510 = vector.broadcast %add3A_46 : i32 to vector<16xi32>
    %le3A_511 = arith.cmpi sle, %add3A_506, %le3A_510 : vector<16xi32>
    %and3A_512 = arith.andi %ge3A_509, %le3A_511 : vector<16xi1>
    %convert_element_type3A_513 = arith.extui %and3A_512 : vector<16xi1> to vector<16xi32>
    %swap3A_514 = arith.constant 144 : index
    %swap3A_515 = tpu.vector_load %arg11[%swap3A_514] {strides = array<i32>} : memref<256xi32, #tpu.memory_space<vmem>>, vector<16xi32>,
    tpu.vector_store %arg11[%swap3A_514], %convert_element_type3A_513 {strides = array<i32>} : memref<256xi32, #tpu.memory_space<vmem>>, vector<16xi32>,
    %add3A_516 = arith.constant 160 : i32
    %add3A_517 = arith.addi %mul3A_387, %add3A_516 : i32
    %add3A_518 = vector.broadcast %add3A_517 : i32 to vector<16xi32>
    %add3A_519 = arith.addi %add3A_518, %iota3A : vector<16xi32>
    %ge3A_520 = arith.constant 1 : i32
    %ge3A_521 = vector.broadcast %ge3A_520 : i32 to vector<16xi32>
    %ge3A_522 = arith.cmpi sge, %add3A_519, %ge3A_521 : vector<16xi32>
    %le3A_523 = vector.broadcast %add3A_46 : i32 to vector<16xi32>
    %le3A_524 = arith.cmpi sle, %add3A_519, %le3A_523 : vector<16xi32>
    %and3A_525 = arith.andi %ge3A_522, %le3A_524 : vector<16xi1>
    %convert_element_type3A_526 = arith.extui %and3A_525 : vector<16xi1> to vector<16xi32>
    %swap3A_527 = arith.constant 160 : index
    %swap3A_528 = tpu.vector_load %arg11[%swap3A_527] {strides = array<i32>} : memref<256xi32, #tpu.memory_space<vmem>>, vector<16xi32>,
    tpu.vector_store %arg11[%swap3A_527], %convert_element_type3A_526 {strides = array<i32>} : memref<256xi32, #tpu.memory_space<vmem>>, vector<16xi32>,
    %add3A_529 = arith.constant 176 : i32
    %add3A_530 = arith.addi %mul3A_387, %add3A_529 : i32
    %add3A_531 = vector.broadcast %add3A_530 : i32 to vector<16xi32>
    %add3A_532 = arith.addi %add3A_531, %iota3A : vector<16xi32>
    %ge3A_533 = arith.constant 1 : i32
    %ge3A_534 = vector.broadcast %ge3A_533 : i32 to vector<16xi32>
    %ge3A_535 = arith.cmpi sge, %add3A_532, %ge3A_534 : vector<16xi32>
    %le3A_536 = vector.broadcast %add3A_46 : i32 to vector<16xi32>
    %le3A_537 = arith.cmpi sle, %add3A_532, %le3A_536 : vector<16xi32>
    %and3A_538 = arith.andi %ge3A_535, %le3A_537 : vector<16xi1>
    %convert_element_type3A_539 = arith.extui %and3A_538 : vector<16xi1> to vector<16xi32>
    %swap3A_540 = arith.constant 176 : index
    %swap3A_541 = tpu.vector_load %arg11[%swap3A_540] {strides = array<i32>} : memref<256xi32, #tpu.memory_space<vmem>>, vector<16xi32>,
    tpu.vector_store %arg11[%swap3A_540], %convert_element_type3A_539 {strides = array<i32>} : memref<256xi32, #tpu.memory_space<vmem>>, vector<16xi32>,
    %add3A_542 = arith.constant 192 : i32
    %add3A_543 = arith.addi %mul3A_387, %add3A_542 : i32
    %add3A_544 = vector.broadcast %add3A_543 : i32 to vector<16xi32>
    %add3A_545 = arith.addi %add3A_544, %iota3A : vector<16xi32>
    %ge3A_546 = arith.constant 1 : i32
    %ge3A_547 = vector.broadcast %ge3A_546 : i32 to vector<16xi32>
    %ge3A_548 = arith.cmpi sge, %add3A_545, %ge3A_547 : vector<16xi32>
    %le3A_549 = vector.broadcast %add3A_46 : i32 to vector<16xi32>
    %le3A_550 = arith.cmpi sle, %add3A_545, %le3A_549 : vector<16xi32>
    %and3A_551 = arith.andi %ge3A_548, %le3A_550 : vector<16xi1>
    %convert_element_type3A_552 = arith.extui %and3A_551 : vector<16xi1> to vector<16xi32>
    %swap3A_553 = arith.constant 192 : index
    %swap3A_554 = tpu.vector_load %arg11[%swap3A_553] {strides = array<i32>} : memref<256xi32, #tpu.memory_space<vmem>>, vector<16xi32>,
    tpu.vector_store %arg11[%swap3A_553], %convert_element_type3A_552 {strides = array<i32>} : memref<256xi32, #tpu.memory_space<vmem>>, vector<16xi32>,
    %add3A_555 = arith.constant 208 : i32
    %add3A_556 = arith.addi %mul3A_387, %add3A_555 : i32
    %add3A_557 = vector.broadcast %add3A_556 : i32 to vector<16xi32>
    %add3A_558 = arith.addi %add3A_557, %iota3A : vector<16xi32>
    %ge3A_559 = arith.constant 1 : i32
    %ge3A_560 = vector.broadcast %ge3A_559 : i32 to vector<16xi32>
    %ge3A_561 = arith.cmpi sge, %add3A_558, %ge3A_560 : vector<16xi32>
    %le3A_562 = vector.broadcast %add3A_46 : i32 to vector<16xi32>
    %le3A_563 = arith.cmpi sle, %add3A_558, %le3A_562 : vector<16xi32>
    %and3A_564 = arith.andi %ge3A_561, %le3A_563 : vector<16xi1>
    %convert_element_type3A_565 = arith.extui %and3A_564 : vector<16xi1> to vector<16xi32>
    %swap3A_566 = arith.constant 208 : index
    %swap3A_567 = tpu.vector_load %arg11[%swap3A_566] {strides = array<i32>} : memref<256xi32, #tpu.memory_space<vmem>>, vector<16xi32>,
    tpu.vector_store %arg11[%swap3A_566], %convert_element_type3A_565 {strides = array<i32>} : memref<256xi32, #tpu.memory_space<vmem>>, vector<16xi32>,
    %add3A_568 = arith.constant 224 : i32
    %add3A_569 = arith.addi %mul3A_387, %add3A_568 : i32
    %add3A_570 = vector.broadcast %add3A_569 : i32 to vector<16xi32>
    %add3A_571 = arith.addi %add3A_570, %iota3A : vector<16xi32>
    %ge3A_572 = arith.constant 1 : i32
    %ge3A_573 = vector.broadcast %ge3A_572 : i32 to vector<16xi32>
    %ge3A_574 = arith.cmpi sge, %add3A_571, %ge3A_573 : vector<16xi32>
    %le3A_575 = vector.broadcast %add3A_46 : i32 to vector<16xi32>
    %le3A_576 = arith.cmpi sle, %add3A_571, %le3A_575 : vector<16xi32>
    %and3A_577 = arith.andi %ge3A_574, %le3A_576 : vector<16xi1>
    %convert_element_type3A_578 = arith.extui %and3A_577 : vector<16xi1> to vector<16xi32>
    %swap3A_579 = arith.constant 224 : index
    %swap3A_580 = tpu.vector_load %arg11[%swap3A_579] {strides = array<i32>} : memref<256xi32, #tpu.memory_space<vmem>>, vector<16xi32>,
    tpu.vector_store %arg11[%swap3A_579], %convert_element_type3A_578 {strides = array<i32>} : memref<256xi32, #tpu.memory_space<vmem>>, vector<16xi32>,
    %add3A_581 = arith.constant 240 : i32
    %add3A_582 = arith.addi %mul3A_387, %add3A_581 : i32
    %add3A_583 = vector.broadcast %add3A_582 : i32 to vector<16xi32>
    %add3A_584 = arith.addi %add3A_583, %iota3A : vector<16xi32>
    %ge3A_585 = arith.constant 1 : i32
    %ge3A_586 = vector.broadcast %ge3A_585 : i32 to vector<16xi32>
    %ge3A_587 = arith.cmpi sge, %add3A_584, %ge3A_586 : vector<16xi32>
    %le3A_588 = vector.broadcast %add3A_46 : i32 to vector<16xi32>
    %le3A_589 = arith.cmpi sle, %add3A_584, %le3A_588 : vector<16xi32>
    %and3A_590 = arith.andi %ge3A_587, %le3A_589 : vector<16xi1>
    %convert_element_type3A_591 = arith.extui %and3A_590 : vector<16xi1> to vector<16xi32>
    %swap3A_592 = arith.constant 240 : index
    %swap3A_593 = tpu.vector_load %arg11[%swap3A_592] {strides = array<i32>} : memref<256xi32, #tpu.memory_space<vmem>>, vector<16xi32>,
    tpu.vector_store %arg11[%swap3A_592], %convert_element_type3A_591 {strides = array<i32>} : memref<256xi32, #tpu.memory_space<vmem>>, vector<16xi32>,
    %dma_start3A_594 = tpu.memref_slice %arg3[%mul3A_387] : memref<8192xi32, #tpu.memory_space<hbm>> -> memref<256xi32, #tpu.memory_space<hbm>>
    %dma_start3A_595 = tpu.memref_slice %arg3[%mul3A_387] : memref<8192xi32, #tpu.memory_space<hbm>> -> memref<256xi32, #tpu.memory_space<hbm>>
    tpu.enqueue_dma source(%arg11 : memref<256xi32, #tpu.memory_space<vmem>>) target(%dma_start3A_595 : memref<256xi32, #tpu.memory_space<hbm>>) target_semaphore(%arg16 : memref<!tpu.dma_semaphore, #tpu.memory_space<semaphore_mem>>)
    %eq3A_596 = arith.constant 0 : i32
    %eq3A_597 = arith.cmpi eq, %add3A, %eq3A_596 : i32
    %convert_element_type3A_598 = arith.extui %eq3A_597 : i1 to i32
    %cond3A = arith.constant 0 : i32
    %cond3A_599 = arith.cmpi ne, %convert_element_type3A_598, %cond3A : i32
    scf.if %cond3A_599 {
      %gt3A_622 = arith.constant 0 : i32
      %gt3A_623 = vector.broadcast %gt3A_622 : i32 to vector<16xi32>
      %gt3A_624 = arith.cmpi sgt, %get3A_1, %gt3A_623 : vector<16xi32>
      %convert_element_type3A_625 = arith.extui %gt3A_624 : vector<16xi1> to vector<16xi32>
      %add3A_626 = arith.addi %get3A_1, %convert_element_type3A_625 : vector<16xi32>
      %swap3A_627 = arith.constant 0 : index
      %swap3A_628 = tpu.vector_load %arg12[%swap3A_627] {strides = array<i32>} : memref<32xi32, #tpu.memory_space<vmem>>, vector<16xi32>,
      tpu.vector_store %arg12[%swap3A_627], %add3A_626 {strides = array<i32>} : memref<32xi32, #tpu.memory_space<vmem>>, vector<16xi32>,
      %gt3A_629 = arith.constant 0 : i32
      %gt3A_630 = vector.broadcast %gt3A_629 : i32 to vector<16xi32>
      %gt3A_631 = arith.cmpi sgt, %get3A_3, %gt3A_630 : vector<16xi32>
      %convert_element_type3A_632 = arith.extui %gt3A_631 : vector<16xi1> to vector<16xi32>
      %add3A_633 = arith.addi %get3A_3, %convert_element_type3A_632 : vector<16xi32>
      %swap3A_634 = arith.constant 16 : index
      %swap3A_635 = tpu.vector_load %arg12[%swap3A_634] {strides = array<i32>} : memref<32xi32, #tpu.memory_space<vmem>>, vector<16xi32>,
      tpu.vector_store %arg12[%swap3A_634], %add3A_633 {strides = array<i32>} : memref<32xi32, #tpu.memory_space<vmem>>, vector<16xi32>,
      tpu.enqueue_dma source(%arg12 : memref<32xi32, #tpu.memory_space<vmem>>) target(%arg5 : memref<32xi32, #tpu.memory_space<hbm>>) target_semaphore(%arg16 : memref<!tpu.dma_semaphore, #tpu.memory_space<semaphore_mem>>)
      tpu.wait_dma2 semaphore(%arg16 : memref<!tpu.dma_semaphore, #tpu.memory_space<semaphore_mem>>) src(%arg12 : memref<32xi32, #tpu.memory_space<vmem>>) dst(%arg5 : memref<32xi32, #tpu.memory_space<hbm>>)
    } else {
    }
    %eq3A_600 = arith.constant 1 : i32
    %eq3A_601 = arith.cmpi eq, %add3A, %eq3A_600 : i32
    %convert_element_type3A_602 = arith.extui %eq3A_601 : i1 to i32
    %cond3A_603 = arith.constant 0 : i32
    %cond3A_604 = arith.cmpi ne, %convert_element_type3A_602, %cond3A_603 : i32
    scf.if %cond3A_604 {
      %add3A_622 = arith.addi %shift_right_arithmetic3A_11, %convert_element_type3A : vector<16xi32>
      %swap3A_623 = arith.constant 0 : index
      %swap3A_624 = tpu.vector_load %arg13[%swap3A_623] {strides = array<i32>} : memref<32xi32, #tpu.memory_space<vmem>>, vector<16xi32>,
      tpu.vector_store %arg13[%swap3A_623], %add3A_622 {strides = array<i32>} : memref<32xi32, #tpu.memory_space<vmem>>, vector<16xi32>,
      %add3A_625 = arith.addi %shift_right_arithmetic3A_17, %convert_element_type3A_35 : vector<16xi32>
      %swap3A_626 = arith.constant 16 : index
      %swap3A_627 = tpu.vector_load %arg13[%swap3A_626] {strides = array<i32>} : memref<32xi32, #tpu.memory_space<vmem>>, vector<16xi32>,
      tpu.vector_store %arg13[%swap3A_626], %add3A_625 {strides = array<i32>} : memref<32xi32, #tpu.memory_space<vmem>>, vector<16xi32>,
      tpu.enqueue_dma source(%arg13 : memref<32xi32, #tpu.memory_space<vmem>>) target(%arg6 : memref<32xi32, #tpu.memory_space<hbm>>) target_semaphore(%arg16 : memref<!tpu.dma_semaphore, #tpu.memory_space<semaphore_mem>>)
      tpu.wait_dma2 semaphore(%arg16 : memref<!tpu.dma_semaphore, #tpu.memory_space<semaphore_mem>>) src(%arg13 : memref<32xi32, #tpu.memory_space<vmem>>) dst(%arg6 : memref<32xi32, #tpu.memory_space<hbm>>)
    } else {
    }
    %eq3A_605 = arith.constant 2 : i32
    %eq3A_606 = arith.cmpi eq, %add3A, %eq3A_605 : i32
    %convert_element_type3A_607 = arith.extui %eq3A_606 : i1 to i32
    %cond3A_608 = arith.constant 0 : i32
    %cond3A_609 = arith.cmpi ne, %convert_element_type3A_607, %cond3A_608 : i32
    scf.if %cond3A_609 {
      %reduce_sum3A_622 = arith.constant true
      %reduce_sum3A_623 = vector.broadcast %reduce_sum3A_622 : i1 to vector<16xi1>
      %reduce_sum3A_624 = tpu.scan <sum>, %shift_right_arithmetic3A_11 masked %reduce_sum3A_623 : vector<16xi32>, vector<16xi1> -> vector<16xi32>
      %reduce_sum3A_625 = vector.extract %reduce_sum3A_624[15] : i32 from vector<16xi32>
      %reduce_sum3A_626 = arith.constant true
      %reduce_sum3A_627 = vector.broadcast %reduce_sum3A_626 : i1 to vector<16xi1>
      %reduce_sum3A_628 = tpu.scan <sum>, %convert_element_type3A masked %reduce_sum3A_627 : vector<16xi32>, vector<16xi1> -> vector<16xi32>
      %reduce_sum3A_629 = vector.extract %reduce_sum3A_628[15] : i32 from vector<16xi32>
      %cumsum3A = arith.constant true
      %cumsum3A_630 = vector.broadcast %cumsum3A : i1 to vector<16xi1>
      %cumsum3A_631 = tpu.scan <sum>, %shift_right_arithmetic3A_11 masked %cumsum3A_630 : vector<16xi32>, vector<16xi1> -> vector<16xi32>
      %add3A_632 = arith.constant 1 : i32
      %add3A_633 = vector.broadcast %add3A_632 : i32 to vector<16xi32>
      %add3A_634 = arith.addi %add3A_633, %cumsum3A_631 : vector<16xi32>
      %sub3A = arith.subi %add3A_634, %shift_right_arithmetic3A_11 : vector<16xi32>
      %add3A_635 = arith.constant 1 : i32
      %add3A_636 = arith.addi %add3A_635, %reduce_sum3A_625 : i32
      %cumsum3A_637 = arith.constant true
      %cumsum3A_638 = vector.broadcast %cumsum3A_637 : i1 to vector<16xi1>
      %cumsum3A_639 = tpu.scan <sum>, %shift_right_arithmetic3A_17 masked %cumsum3A_638 : vector<16xi32>, vector<16xi1> -> vector<16xi32>
      %add3A_640 = vector.broadcast %add3A_636 : i32 to vector<16xi32>
      %add3A_641 = arith.addi %add3A_640, %cumsum3A_639 : vector<16xi32>
      %sub3A_642 = arith.subi %add3A_641, %shift_right_arithmetic3A_17 : vector<16xi32>
      %cumsum3A_643 = arith.constant true
      %cumsum3A_644 = vector.broadcast %cumsum3A_643 : i1 to vector<16xi1>
      %cumsum3A_645 = tpu.scan <sum>, %convert_element_type3A masked %cumsum3A_644 : vector<16xi32>, vector<16xi1> -> vector<16xi32>
      %sub3A_646 = arith.subi %cumsum3A_645, %convert_element_type3A : vector<16xi32>
      %cumsum3A_647 = arith.constant true
      %cumsum3A_648 = vector.broadcast %cumsum3A_647 : i1 to vector<16xi1>
      %cumsum3A_649 = tpu.scan <sum>, %convert_element_type3A_35 masked %cumsum3A_648 : vector<16xi32>, vector<16xi1> -> vector<16xi32>
      %add3A_650 = vector.broadcast %reduce_sum3A_629 : i32 to vector<16xi32>
      %add3A_651 = arith.addi %add3A_650, %cumsum3A_649 : vector<16xi32>
      %sub3A_652 = arith.subi %add3A_651, %convert_element_type3A_35 : vector<16xi32>
      %gt3A_653 = arith.constant 0 : i32
      %gt3A_654 = vector.broadcast %gt3A_653 : i32 to vector<16xi32>
      %gt3A_655 = arith.cmpi sgt, %shift_right_arithmetic3A_11, %gt3A_654 : vector<16xi32>
      %add3A_656 = arith.addi %sub3A, %shift_right_arithmetic3A_11 : vector<16xi32>
      %sub3A_657 = arith.constant 1 : i32
      %sub3A_658 = vector.broadcast %sub3A_657 : i32 to vector<16xi32>
      %sub3A_659 = arith.subi %add3A_656, %sub3A_658 : vector<16xi32>
      %select_n3A_660 = arith.select %gt3A_655, %sub3A_659, %broadcast_in_dim3A_36 : vector<16xi1>, vector<16xi32>
      %add3A_661 = arith.constant 1 : i32
      %add3A_662 = arith.addi %reduce_sum3A_40, %add3A_661 : i32
      %add3A_663 = vector.broadcast %add3A_662 : i32 to vector<16xi32>
      %add3A_664 = arith.addi %add3A_663, %sub3A_646 : vector<16xi32>
      %gt3A_665 = arith.constant 0 : i32
      %gt3A_666 = vector.broadcast %gt3A_665 : i32 to vector<16xi32>
      %gt3A_667 = arith.cmpi sgt, %convert_element_type3A, %gt3A_666 : vector<16xi32>
      %select_n3A_668 = arith.select %gt3A_667, %add3A_664, %select_n3A_660 : vector<16xi1>, vector<16xi32>
      %swap3A_669 = arith.constant 0 : index
      %swap3A_670 = tpu.vector_load %arg14[%swap3A_669] {strides = array<i32>} : memref<32xi32, #tpu.memory_space<vmem>>, vector<16xi32>,
      tpu.vector_store %arg14[%swap3A_669], %select_n3A_668 {strides = array<i32>} : memref<32xi32, #tpu.memory_space<vmem>>, vector<16xi32>,
      %gt3A_671 = arith.constant 0 : i32
      %gt3A_672 = vector.broadcast %gt3A_671 : i32 to vector<16xi32>
      %gt3A_673 = arith.cmpi sgt, %shift_right_arithmetic3A_17, %gt3A_672 : vector<16xi32>
      %add3A_674 = arith.addi %sub3A_642, %shift_right_arithmetic3A_17 : vector<16xi32>
      %sub3A_675 = arith.constant 1 : i32
      %sub3A_676 = vector.broadcast %sub3A_675 : i32 to vector<16xi32>
      %sub3A_677 = arith.subi %add3A_674, %sub3A_676 : vector<16xi32>
      %select_n3A_678 = arith.select %gt3A_673, %sub3A_677, %broadcast_in_dim3A_36 : vector<16xi1>, vector<16xi32>
      %add3A_679 = arith.constant 1 : i32
      %add3A_680 = arith.addi %reduce_sum3A_40, %add3A_679 : i32
      %add3A_681 = vector.broadcast %add3A_680 : i32 to vector<16xi32>
      %add3A_682 = arith.addi %add3A_681, %sub3A_652 : vector<16xi32>
      %gt3A_683 = arith.constant 0 : i32
      %gt3A_684 = vector.broadcast %gt3A_683 : i32 to vector<16xi32>
      %gt3A_685 = arith.cmpi sgt, %convert_element_type3A_35, %gt3A_684 : vector<16xi32>
      %select_n3A_686 = arith.select %gt3A_685, %add3A_682, %select_n3A_678 : vector<16xi1>, vector<16xi32>
      %swap3A_687 = arith.constant 16 : index
      %swap3A_688 = tpu.vector_load %arg14[%swap3A_687] {strides = array<i32>} : memref<32xi32, #tpu.memory_space<vmem>>, vector<16xi32>,
      tpu.vector_store %arg14[%swap3A_687], %select_n3A_686 {strides = array<i32>} : memref<32xi32, #tpu.memory_space<vmem>>, vector<16xi32>,
      tpu.enqueue_dma source(%arg14 : memref<32xi32, #tpu.memory_space<vmem>>) target(%arg7 : memref<32xi32, #tpu.memory_space<hbm>>) target_semaphore(%arg16 : memref<!tpu.dma_semaphore, #tpu.memory_space<semaphore_mem>>)
      tpu.wait_dma2 semaphore(%arg16 : memref<!tpu.dma_semaphore, #tpu.memory_space<semaphore_mem>>) src(%arg14 : memref<32xi32, #tpu.memory_space<vmem>>) dst(%arg7 : memref<32xi32, #tpu.memory_space<hbm>>)
    } else {
    }
    %eq3A_610 = arith.constant 3 : i32
    %eq3A_611 = arith.cmpi eq, %add3A, %eq3A_610 : i32
    %convert_element_type3A_612 = arith.extui %eq3A_611 : i1 to i32
    %cond3A_613 = arith.constant 0 : i32
    %cond3A_614 = arith.cmpi ne, %convert_element_type3A_612, %cond3A_613 : i32
    scf.if %cond3A_614 {
      %gt3A_622 = arith.constant 0 : i32
      %gt3A_623 = vector.broadcast %gt3A_622 : i32 to vector<16xi32>
      %gt3A_624 = arith.cmpi sgt, %get3A_1, %gt3A_623 : vector<16xi32>
      %and3A_625 = arith.constant 15 : i32
      %and3A_626 = vector.broadcast %and3A_625 : i32 to vector<16xi32>
      %and3A_627 = arith.andi %get3A_1, %and3A_626 : vector<16xi32>
      %select_n3A_628 = arith.select %gt3A_624, %and3A_627, %broadcast_in_dim3A_36 : vector<16xi1>, vector<16xi32>
      %swap3A_629 = arith.constant 0 : index
      %swap3A_630 = tpu.vector_load %arg15[%swap3A_629] {strides = array<i32>} : memref<32xi32, #tpu.memory_space<vmem>>, vector<16xi32>,
      tpu.vector_store %arg15[%swap3A_629], %select_n3A_628 {strides = array<i32>} : memref<32xi32, #tpu.memory_space<vmem>>, vector<16xi32>,
      %gt3A_631 = arith.constant 0 : i32
      %gt3A_632 = vector.broadcast %gt3A_631 : i32 to vector<16xi32>
      %gt3A_633 = arith.cmpi sgt, %get3A_3, %gt3A_632 : vector<16xi32>
      %and3A_634 = arith.constant 15 : i32
      %and3A_635 = vector.broadcast %and3A_634 : i32 to vector<16xi32>
      %and3A_636 = arith.andi %get3A_3, %and3A_635 : vector<16xi32>
      %select_n3A_637 = arith.select %gt3A_633, %and3A_636, %broadcast_in_dim3A_36 : vector<16xi1>, vector<16xi32>
      %swap3A_638 = arith.constant 16 : index
      %swap3A_639 = tpu.vector_load %arg15[%swap3A_638] {strides = array<i32>} : memref<32xi32, #tpu.memory_space<vmem>>, vector<16xi32>,
      tpu.vector_store %arg15[%swap3A_638], %select_n3A_637 {strides = array<i32>} : memref<32xi32, #tpu.memory_space<vmem>>, vector<16xi32>,
      tpu.enqueue_dma source(%arg15 : memref<32xi32, #tpu.memory_space<vmem>>) target(%arg8 : memref<32xi32, #tpu.memory_space<hbm>>) target_semaphore(%arg16 : memref<!tpu.dma_semaphore, #tpu.memory_space<semaphore_mem>>)
      tpu.wait_dma2 semaphore(%arg16 : memref<!tpu.dma_semaphore, #tpu.memory_space<semaphore_mem>>) src(%arg15 : memref<32xi32, #tpu.memory_space<vmem>>) dst(%arg8 : memref<32xi32, #tpu.memory_space<hbm>>)
    } else {
    }
    %dma_wait3A = arith.constant 0 : i32
    %dma_wait3A_615 = tpu.memref_slice %arg4[%add3A, %dma_wait3A] : memref<32x256xi32, #tpu.memory_space<hbm>> -> memref<1x256xi32, #tpu.memory_space<hbm>>
    %dma_wait3A_616 = tpu.memref_squeeze %dma_wait3A_615 : memref<1x256xi32, #tpu.memory_space<hbm>> -> memref<256xi32, #tpu.memory_space<hbm>>
    %dma_wait3A_617 = arith.constant 0 : i32
    %dma_wait3A_618 = tpu.memref_slice %arg4[%add3A, %dma_wait3A_617] : memref<32x256xi32, #tpu.memory_space<hbm>> -> memref<1x256xi32, #tpu.memory_space<hbm>>
    %dma_wait3A_619 = tpu.memref_squeeze %dma_wait3A_618 : memref<1x256xi32, #tpu.memory_space<hbm>> -> memref<256xi32, #tpu.memory_space<hbm>>
    tpu.wait_dma2 semaphore(%arg16 : memref<!tpu.dma_semaphore, #tpu.memory_space<semaphore_mem>>) src(%arg10 : memref<256xi32, #tpu.memory_space<vmem>>) dst(%dma_wait3A_619 : memref<256xi32, #tpu.memory_space<hbm>>)
    %dma_wait3A_620 = tpu.memref_slice %arg3[%mul3A_387] : memref<8192xi32, #tpu.memory_space<hbm>> -> memref<256xi32, #tpu.memory_space<hbm>>
    %dma_wait3A_621 = tpu.memref_slice %arg3[%mul3A_387] : memref<8192xi32, #tpu.memory_space<hbm>> -> memref<256xi32, #tpu.memory_space<hbm>>
    tpu.wait_dma2 semaphore(%arg16 : memref<!tpu.dma_semaphore, #tpu.memory_space<semaphore_mem>>) src(%arg11 : memref<256xi32, #tpu.memory_space<vmem>>) dst(%dma_wait3A_621 : memref<256xi32, #tpu.memory_space<hbm>>)
    return
  }
}

</mosaic_0001>

<sc_bundles>
// kernel: kernel.3.cloned.1.call-start
scs
__scs_entry_jumppad:
0x0: {  	(pc) =	sbr.rel $0x88, $3  }
0x1: {  	(tag) =	ssettag $0x0;
	lr =	simm.s32 $0x1  }
0x2: {  	[smem:$0x3FA0] =	sst lr;
	_ =	strace $0xD0000000  }
0x3: {  	_ = 	snop  }
0x4: {  	_ = 	snop  }
0x5: {  	_ = 	snop  }
0x6: {  	_ = 	snop  }
0x7: {  	_ = 	snop  }
__scs_overlays_trampoline_lowered:
0x8: {  	[smem:$0x3FAF] =	sst s0  }
0x9: {  	[smem:$0x3FB0] =	sst s1  }
0xa: {  	[smem:$0x3FB1] =	sst s2  }
0xb: {  	[smem:$0x3FB2] =	sst s3  }
0xc: {  	[smem:$0x3FB3] =	sst s4  }
0xd: {  	[smem:$0x3FB4] =	sst s5  }
0xe: {  	[smem:$0x3FB5] =	sst s6  }
0xf: {  	[smem:$0x3FB6] =	sst s7  }
0x10: {  	[smem:$0x3FB7] =	sst s8  }
0x11: {  	[smem:$0x3FB8] =	sst s9;
	s0 =	simm.s32 @!p0 $0x0  }
0x12: {  	s1 =	sld [smem:$0x3F9E];
	s0 =	simm.s32 @p0 $0x1  }
0x13: {  	[smem:$0x3FB9] =	sst s0;
	s0 =	simm.s32 @!p1 $0x0  }
0x14: {  	s2 =	sld [smem:$0x3F9D];
	s0 =	simm.s32 @p1 $0x1  }
0x15: {  	[smem:$0x3FBA] =	sst s0;
	s0 =	simm.s32 @!p2 $0x0  }
0x16: {  	s3 =	sld [smem:$0x3FDB];
	s0 =	simm.s32 @p2 $0x1  }
0x17: {  	s4 =	simm.s32 $0x1BF5;
	[smem:$0x3FBC] =	sst s0  }
0x18: {  	s0 =	sld [smem:$0x3F9F];
	_ =	swait.ge [sflag:s4], $0x0  }
0x19: {  	s7 =	sld [smem:$0x3FA0]  }
0x1a: {  	s8 =	sadd.s32 $0xFFFFE003, lr  }
0x1b: {  	s9 =	sadd.s32 $0xFFFFFEF7, lr;
	s5 =	simm.s32 $0xFFFFFFFF;
	p2 =	slt.u32 s8, $0xFFFFF086  }
0x1c: {  	p1 =	slt.u32 s9, $0xF7A;
	s5 =	simm.s32 @!p2 $0x0  }
0x1d: {  	s5 =	simm.s32 @p1 $0x1;
	p0 =	seq.s32 s7, s2  }
0x1e: {  	s7 =	smul.u32 @!p0 $0xF7A, s2;
	p2 =	seq.s32 @!p0 s5, $0x0  }
0x1f: {  	s9 =	smul.u32 $0xF7A, s1;
	s8 =	simm.s32 @!p0 $0x1BF5;
	p2 =	por !p2, p0  }
0x20: {  	[sflag:s8] =	ssyncset.s32 @!p0 $0xFFFFF086;
	s6 =	sadd.s32 @!p0 s3, s7;
	s7 =	simm.s32 @!p0 $0x108  }
0x21: {  	s3 =	sadd.s32 s3, s9;
	s6 =	sadd.s32 @!p0 $0x88, s6;
	s7 =	simm.s32 @p2 $0x1082  }
0x22: {  	[simem:s7], [sflag:s8] =	dma.local @!p0 [hbm:s6], $0xF7A  }
0x23: {  	s9 =	sor.u32 $0xD0000000, s2;
	s6 =	simm.s32 $0x108;
	_ =	swait.ge @!p0 [sflag:s8], $0x0  }
0x24: {  	s3 =	sadd.s32 $0x88, s3;
	s6 =	simm.s32 @!p1 $0x1082;
	[sflag:s4] =	ssyncset.s32 $0xFFFFF086  }
0x25: {  	[simem:s6], [sflag:s4] =	dma.local [hbm:s3], $0xF7A  }
0x26: {  	[smem:$0x3FA0] =	sst s1;
	(tag) =	ssettag s2;
	_ =	strace s9  }
0x27: {  	s1 =	sld [smem:$0x3FB0]  }
0x28: {  	s2 =	sld [smem:$0x3FB1]  }
0x29: {  	s4 =	sld [smem:$0x3FB3]  }
0x2a: {  	p0 =	seq.s32 s5, $0x0;
	s5 =	sld [smem:$0x3FB4]  }
0x2b: {  	s6 =	sld [smem:$0x3FB5]  }
0x2c: {  	s7 =	sld [smem:$0x3FB6]  }
0x2d: {  	s3 =	simm.s32 $0x108;
	s8 =	sld [smem:$0x3FB7]  }
0x2e: {  	s3 =	simm.s32 @!p0 $0x1082;
	s9 =	sld [smem:$0x3FB8]  }
0x2f: {  	lr =	sadd.s32 s0, s3;
	s0 =	sld [smem:$0x3FAF]  }
0x30: {  	s3 =	sld [smem:$0x3FB2]  }
0x31: {  	[smem:$0x3FBB] =	sst s10  }
0x32: {  	s10 =	sld [smem:$0x3FB9];
	_ =	sdelay $0x3  }
0x33: {  	p0 =	seq.s32 s10, $0x1;
	s10 =	sld [smem:$0x3FBB];
	_ =	sdelay $0x3  }
0x34: {  	[smem:$0x3FBB] =	sst s10  }
0x35: {  	s10 =	sld [smem:$0x3FBA];
	_ =	sdelay $0x3  }
0x36: {  	p1 =	seq.s32 s10, $0x1;
	s10 =	sld [smem:$0x3FBB];
	_ =	sdelay $0x3  }
0x37: {  	[smem:$0x3FBB] =	sst s10  }
0x38: {  	s10 =	sld [smem:$0x3FBC]  }
0x39: {  	_ = 	snop;
	(pc) =	sbr.ind lr, $3  }
0x3a: {  	_ = 	snop  }
0x3b: {  	_ = 	snop  }
0x3c: {  	p2 =	seq.s32 s10, $0x1;
	s10 =	sld [smem:$0x3FBB]  }
0x3d: {  	_ =	shalt  }
0x3e: {  	_ =	shalt  }
0x3f: {  	_ =	shalt  }
0x40: {  	_ =	shalt  }
0x41: {  	_ =	shalt  }
0x42: {  	_ =	shalt  }
0x43: {  	_ =	shalt  }
0x44: {  	_ =	shalt  }
0x45: {  	_ =	shalt  }
0x46: {  	_ =	shalt  }
0x47: {  	_ =	shalt  }
0x48: {  	_ =	shalt  }
0x49: {  	_ =	shalt  }
0x4a: {  	_ =	shalt  }
0x4b: {  	_ =	shalt  }
0x4c: {  	_ =	shalt  }
0x4d: {  	_ =	shalt  }
0x4e: {  	_ =	shalt  }
0x4f: {  	_ =	shalt  }
0x50: {  	_ =	shalt  }
0x51: {  	_ =	shalt  }
0x52: {  	_ =	shalt  }
0x53: {  	_ =	shalt  }
0x54: {  	_ =	shalt  }
0x55: {  	_ =	shalt  }
0x56: {  	_ =	shalt  }
0x57: {  	_ =	shalt  }
0x58: {  	_ =	shalt  }
0x59: {  	_ =	shalt  }
0x5a: {  	_ =	shalt  }
0x5b: {  	_ =	shalt  }
0x5c: {  	_ =	shalt  }
0x5d: {  	_ =	shalt  }
0x5e: {  	_ =	shalt  }
0x5f: {  	_ =	shalt  }
0x60: {  	_ =	shalt  }
0x61: {  	_ =	shalt  }
0x62: {  	_ =	shalt  }
0x63: {  	_ =	shalt  }
0x64: {  	_ =	shalt  }
0x65: {  	_ =	shalt  }
0x66: {  	_ =	shalt  }
0x67: {  	_ =	shalt  }
0x68: {  	_ =	shalt  }
0x69: {  	_ =	shalt  }
0x6a: {  	_ =	shalt  }
0x6b: {  	_ =	shalt  }
0x6c: {  	_ =	shalt  }
0x6d: {  	_ =	shalt  }
0x6e: {  	_ =	shalt  }
0x6f: {  	_ =	shalt  }
0x70: {  	_ =	shalt  }
0x71: {  	_ =	shalt  }
0x72: {  	_ =	shalt  }
0x73: {  	_ =	shalt  }
0x74: {  	_ =	shalt  }
0x75: {  	_ =	shalt  }
0x76: {  	_ =	shalt  }
0x77: {  	_ =	shalt  }
0x78: {  	_ =	shalt  }
0x79: {  	_ =	shalt  }
0x7a: {  	_ =	shalt  }
0x7b: {  	_ =	shalt  }
0x7c: {  	_ =	shalt  }
0x7d: {  	_ =	shalt  }
0x7e: {  	_ =	shalt  }
0x7f: {  	_ =	shalt  }
0x80: {  	_ =	shalt  }
0x81: {  	_ =	shalt  }
0x82: {  	_ =	shalt  }
0x83: {  	_ =	shalt  }
0x84: {  	_ =	shalt  }
0x85: {  	_ =	shalt  }
0x86: {  	_ =	shalt  }
0x87: {  	_ =	shalt  }
.Lfunc_end0:
.L_simem_size_0:
called_computation_lowered:
.L_overlay_start_0:
0x88: {  	s2 =	sld [smem:$0x3FD9]  }
0x89: {  	s3 =	sld [smem:$0x3FFE];
	_ =	sdelay $0x1  }
0x8a: {  	s1 =	srdreg.scid  }
0x8b: {  	s0 =	sand.u32 $0x1, s1  }
0x8c: {  	s15 =	sshll.u32 s0, $0xA;
	s2 =	sadd.s32 s3, s2  }
0x8d: {  	s2 =	sadd.s32 s2, s15  }
0x8e: {  	[smem:$0x3FC7] =	sst s2  }
0x8f: {  	_ = 	snop  }
0x90: {  	s2 =	sld [smem:$0x3FD0];
	_ =	sdelay $0x2  }
0x91: {  	s4 =	simm.s32 $0xA;
	s5 =	simm.s32 $0x10;
	s16 =	sld [smem:$0x3FC9]  }
0x92: {  	[smem:s5], [sflag:s4] =	dma.local [hbm:s2], $0x1  }
0x93: {  	_ =	swait.eq [sflag:s4], $0x1  }
0x94: {  	s17 =	sld [smem:$0x10]  }
0x95: {  	s18 =	sld [smem:$0x11]  }
0x96: {  	s6 =	sld [smem:$0x12]  }
0x97: {  	s7 =	sld [smem:$0x13];
	[sflag:s4] =	ssyncset.done $0x0  }
0x98: {  	s8 =	sld [smem:$0x14];
	[sflag:s4] =	ssyncadd.s32 $0xFFFFFFFF  }
0x99: {  	s19 =	sld [smem:$0x15];
	(tm) =	ssettm $0x1  }
0x9a: {  	s9 =	sld [smem:$0x3FFB];
	_ =	sdelay $0x3  }
0x9b: {  	_ =	strace s9  }
0x9c: {  	s9 =	sld [smem:$0x3FFC];
	_ =	sdelay $0x3  }
0x9d: {  	_ =	strace s9  }
0x9e: {  	s9 =	sld [smem:$0x3FFD];
	_ =	sdelay $0x3  }
0x9f: {  	_ =	strace s9  }
0xa0: {  	_ =	strace $0x8FFFFFFF  }
0xa1: {  	s20 =	sld [smem:$0x3FDB];
	_ =	sdelay $0x1  }
0xa2: {  	s10 =	simm.s32 $_scs_section_size  }
0xa3: {  	s11 =	simm.s32 $_size__tile_overlayer_lowered;
	s12 =	simm.s32 $_tile_overlayer_lowered  }
0xa4: {  	s23 =	simm.s32 $0x1BFF;
	s22 =	sshll.u32 s12, $0x1;
	s9 =	sadd.s32 s10, s20  }
0xa5: {  	s13 =	simm.s32 $0x0;
	s21 =	sshll.u32 s11, $0x1;
	s11 =	sadd.s32 s22, s9  }
0xa6: {  	[timem:s13], [sflag:s23] =	dma.local [hbm:s11], s21  }
0xa7: {  	_ =	swait.ge [sflag:s23], s21  }
0xa8: {  	s10 =	ssub.s32 $0x0, s21;
	[sflag:s23] =	ssyncset.done $0x0  }
0xa9: {  	[sflag:s23] =	ssyncadd.s32 s10;
	_ =	sdelay $0x1  }
0xaa: {  	s24 =	simm.s32 $0x1B8B  }
0xab: {  	_ =	swait.ge [sflag:s24], $0x1  }
0xac: {  	[sflag:s24] =	ssyncset.done $0x0  }
0xad: {  	s25 =	simm.s32 $0x1B8E;
	[sflag:s24] =	ssyncadd.s32 $0xFFFFFFFF  }
0xae: {  	s26 =	simm.s32 $execute0_lowered;
	[smem:$0x3FD2] =	sst s25  }
0xaf: {  	s10 =	sshll.u32 s26, $0x1;
	_ =	strace $0x80000046;
	[dreg:$0x1] =	wrdreg $0xFFFFFFFF  }
0xb0: {  	s28 =	simm.s32 $_size_execute0_lowered;
	s9 =	sadd.s32 s9, s10;
	[dreg:$0x0] =	wrdreg $0x0  }
0xb1: {  	s10 =	sshll.u32 s28, $0x1;
	[dreg:$0x2] =	wrdreg s9  }
0xb2: {  	[dreg:$0x3] =	wrdreg s10  }
0xb3: {  	[dreg:$0x4] =	wrdreg $0xC0  }
0xb4: {  	_ =	task [dreg:s13], $0x5FFFF  }
0xb5: {  	[dreg:$0x1] =	wrdreg $0xFFFFFFFF  }
0xb6: {  	[dreg:$0x0] =	wrdreg $0x60  }
0xb7: {  	[dreg:$0x2] =	wrdreg s16  }
0xb8: {  	[dreg:$0x3] =	wrdreg s17  }
0xb9: {  	[dreg:$0x4] =	wrdreg s18  }
0xba: {  	[dreg:$0x5] =	wrdreg s6  }
0xbb: {  	[dreg:$0x6] =	wrdreg s7  }
0xbc: {  	[dreg:$0x7] =	wrdreg s8  }
0xbd: {  	[dreg:$0x8] =	wrdreg s19  }
0xbe: {  	[dreg:$0x9] =	wrdreg $0x9  }
0xbf: {  	_ =	task.clear_ibuf [dreg:s13], $0xAFFFF;
	_ =	strace $0x90000046  }
0xc0: {  	s29 =	simm.s32 $0x9;
	_ =	strace $0x80000048  }
0xc1: {  	_ =	swait.ge [sflag:s29], $0x1  }
0xc2: {  	[sflag:s29] =	ssyncadd.s32 $0xFFFFFFFF  }
0xc3: {  	_ =	strace $0x90000048  }
0xc4: {  	_ =	sfence  }
0xc5: {  	s30 =	sld [smem:$0x0];
	_ =	sdelay $0x2  }
0xc6: {  	s31 =	sshll.u32 s1, $0xD;
	s1 =	sshrl.u32 s1, $0x2  }
0xc7: {  	s3 =	sand.u32 $0x4000, s31;
	s1 =	sadd.s32 s1, s30  }
0xc8: {  	s0 =	sor.u32 s3, s0;
	s1 =	sshll.u32 s1, $0x11  }
0xc9: {  	s0 =	sor.u32 s1, s0  }
0xca: {  	s0 =	sadd.s32 $0x8F2B, s0  }
0xcb: {  	[sflag:s0] =	ssyncadd.remote.s32 $0x1  }
0xcc: {  	_ =	sfence.sel $0xFFFF  }
0xcd: {  	[dreg:$0x0] =	wrdreg $0xFFFFFFFF;
	(pc) =	sbr.abs _section_cstart, $3  }
0xce: {  	[dreg:$0x1] =	wrdreg $0xFFFFFFFF  }
0xcf: {  	_ =	task.clear_ibuf [dreg:s13], $0x2FFFF;
	_ =	strace $0x9FFFFFFF  }
0xd0: {  	(tm) =	ssettm $0x7FFFFFFF  }
0xd1: {  	_ =	shalt  }
tec
execute0_lowered:
.L_overlay_start_1:
0x0: {  	(tag) =	ssettag $0x1  }
0x1: {  	s0 =	rddreg [dreg:$0x0]  }
0x2: {  	s9 =	rddreg [dreg:$0x1]  }
0x3: {  	s8 =	rddreg [dreg:$0x2]  }
0x4: {  	s1 =	rddreg [dreg:$0x3]  }
0x5: {  	s3 =	rddreg [dreg:$0x4]  }
0x6: {  	s2 =	srdreg.scid;
	s5 =	rddreg [dreg:$0x5]  }
0x7: {  	s6 =	rddreg [dreg:$0x6];
	s7 =	simm.s32 $0x0;
	s10 =	sand.u32 $0x1, s2  }
0x8: {  	s2 =	stileid.u32;
	[smem:$0x7FF] =	sst s7;
	s4 =	sshll.u32 s10, $0x4  }
0x9: {  	s13 =	sshll.u32 s2, $0x7;
	s10 =	ssub.s32 $0x2, s10;
	s19 =	sor.u32 s2, s4  }
0xa: {  	v0 =	vlaneseq.u32;
	vm5 =	vmxor vm5, vm5;
	s4 =	rddreg [dreg:$0x7];
	s13 =	sand.u32 $0x380, s13;
	s30 =	sshrl.u32 s10, $0x1  }
0xb: {  	v17 =	vor.u32 $0x10, v0;
	v20 =	vor.u32 $0x30, v0;
	v21 =	vor.u32 $0x40, v0;
	_ =	strace $0x80000047;
	s11 =	sshll.u32 s19, $0x8;
	s10 =	ssub.s32 s10, s30  }
0xc: {  	v22 =	vor.u32 $0x50, v0;
	v23 =	vor.u32 $0x60, v0;
	v24 =	vor.u32 $0x70, v0;
	s31 =	sshll.u32 s19, $0x5;
	p0 =	sgt.s32 s19, $0x1;
	p1 =	seq.s32 s19, $0x0  }
0xd: {  	v25 =	vor.u32 $0x80, v0;
	v26 =	vor.u32 $0x90, v0;
	v27 =	vor.u32 $0xA0, v0;
	p2 =	seq.s32 s19, $0x1;
	p3 =	seq.s32 s19, $0x2;
	p4 =	seq.s32 s19, $0x3  }
0xe: {  	v28 =	vor.u32 $0xB0, v0;
	v29 =	vor.u32 $0xC0, v0;
	v30 =	vor.u32 $0xD0, v0;
	s12 =	sand.u32 $0x1800, s11;
	s14 =	sor.u32 $0x10, s11;
	s17 =	sor.u32 $0x20, s11  }
0xf: {  	v31 =	vor.u32 $0xE0, v0;
	v32 =	vor.u32 $0xF0, v0;
	v18 =	vmov s19;
	s15 =	sor.u32 $0x30, s11;
	s16 =	sor.u32 $0x40, s11;
	s18 =	sor.u32 $0x50, s11  }
0x10: {  	v19 =	vmov s11;
	v1 =	vor.u32 s11, v0;
	s20 =	sor.u32 $0x60, s11;
	s21 =	sor.u32 $0x70, s11;
	s22 =	sor.u32 $0x80, s11;
	vm1 =	vgt.u32 v18, v17  }
0x11: {  	s23 =	sor.u32 $0x90, s11;
	s24 =	sor.u32 $0xA0, s11;
	s25 =	sor.u32 $0xB0, s11;
	vm2 =	vgt.u32 v18, v0;
	vm3 =	veq.s32 v18, v17;
	vm4 =	veq.s32 v18, v0  }
0x12: {  	s26 =	sor.u32 $0xC0, s11;
	s28 =	sor.u32 $0xD0, s11;
	s29 =	sor.u32 $0xE0, s11;
	v18 =	vimm.s32 $0x0;
	v2 =	vor.u32 s14, v0;
	v3 =	vor.u32 s17, v0  }
.Ltmp0:
0x13: {  	s11 =	sor.u32 $0xF0, s11;
	s9 =	sadd.s32 s9, s31;
	v4 =	vor.u32 s15, v0;
	v5 =	vor.u32 s16, v0;
	v6 =	vor.u32 s18, v0;
	(pc) =	sbr.rel .LBB2_1-.Ltmp0, $4  }
0x14: {  	s10 =	smax.u32 s10, $0x1;
	v7 =	vor.u32 s20, v0;
	v8 =	vor.u32 s21, v0;
	s12 =	sor.u32 s13, s12;
	v16 =	vor.u32 s11, v0;
	s11 =	simm.s32 $0x2  }
0x15: {  	v9 =	vor.u32 s22, v0;
	v10 =	vor.u32 s23, v0;
	v11 =	vor.u32 s24, v0;
	s13 =	simm.s32 $0x80;
	s14 =	simm.s32 $0x180;
	s15 =	simm.s32 $0x280  }
0x16: {  	v12 =	vor.u32 s25, v0;
	v13 =	vor.u32 s26, v0;
	v14 =	vor.u32 s28, v0;
	s16 =	simm.s32 $0x300;
	s17 =	simm.s32 $0x1;
	s12 =	sshrl.u32 s12, $0x3  }
0x17: {  	v15 =	vor.u32 s29, v0;
	vm0 =	vne.s32 v19, v0;
	v19 =	vor.u32 $0x20, v0;
	s18 =	simm.s32 $0x380;
	s8 =	sadd.s32 s8, s12;
	s12 =	simm.s32 $0x400  }
.LBB2_9:
0x18: {  	(xrf0) =	vadd.scan.msk.s32 $0xffff, v33;
	_ =	sdelay $0x5  }
0x19: {  	v35, _, _ =	vpop (xrf0)  }
0x1a: {  	(v2sf) =	vpush v35, $0xF;
	_ =	sdelay $0xa  }
0x1b: {  	(xrf0) =	vadd.scan.msk.s32 $0xffff, v40  }
0x1c: {  	(xrf0) =	vadd.scan.msk.s32 $0xffff, v34  }
0x1d: {  	(xrf0) =	vadd.scan.msk.s32 $0xffff, v37;
	_ =	sdelay $0x1  }
0x1e: {  	s20 =	spop (v2sf)  }
0x1f: {  	s20 =	sadd.s32 $0x1, s20  }
0x20: {  	v59 =	vsel vm7, $0xFFFFFFFF, v18;
	v36, _, _ =	vpop (xrf0);
	v38 =	vmov s20  }
0x21: {  	v60 =	vsel vm6, $0xFFFFFFFF, v18;
	vm8 =	vgt.s32 v33, $0x0;
	v39, _, _ =	vpop (xrf0);
	v38 =	vadd.s32 $0xFFFFFFFF, v38  }
0x22: {  	v37 =	vadd.s32 v59, v36;
	v36 =	vbroadcast v36, $0xF;
	v41, _, _ =	vpop (xrf0);
	v61 =	vbroadcast v38, $0x0  }
0x23: {  	vm15 =	vgt.s32 v34, $0x0;
	v35 =	vnsel vm8, $0x0, v35;
	v62 =	vadd.s32 v60, v41  }
0x24: {  	v37 =	vadd.s32 s19, v37;
	v63 =	vadd.s32 v36, v62;
	v33 =	vadd.s32 v39, v61  }
0x25: {  	v35 =	vsel vm7, v37, v35;
	v34 =	vadd.s32 s19, v63;
	v33 =	vnsel vm15, $0x0, v33  }
0x26: {  	[tilespmem:$0x380] =	vst v35;
	v33 =	vsel vm6, v34, v33  }
0x27: {  	[tilespmem:$0x390] =	vst v33  }
0x28: {  	[hbm4b:s5+s7] =	stream.linear.scatter [tilespmem:s18], [sflag:$0x1], $0x80, $0x38;
	[tilespmem:$0x480] =	vst v63  }
.LBB2_10:
0x29: {  	_ =	swait.ge [sflag:s17], $0x80  }
0x2a: {  	[sflag:s17] =	ssyncset.done $0x0  }
0x2b: {  	[sflag:s17] =	ssyncadd.s32 $0xFFFFFF80  }
.LBB2_11:
0x2c: {  	s10 =	sadd.s32 $0xFFFFFFFF, s10  }
0x2d: {  	_ =	swait.ge [sflag:s17], $0x100;
	p5 =	sne.s32 s10, $0x0  }
.Ltmp1:
0x2e: {  	[sflag:s17] =	ssyncset.done $0x0;
	(pc) =	sbr.rel @!p5 .LBB2_12-.Ltmp1, $4  }
0x2f: {  	[sflag:s17] =	ssyncadd.s32 $0xFFFFFF00  }
0x30: {  	_ =	swait.ge [sflag:s17], $0x100  }
0x31: {  	[sflag:s17] =	ssyncset.done $0x0  }
0x32: {  	[sflag:s17] =	ssyncadd.s32 $0xFFFFFF00  }
.LBB2_1:
0x33: {  	[tilespmem:s7], [sflag:$0x2] =	stream.linear.gather [hbm4b:s0+s7], $0x80, $0x38;
	[tilespmem:$0x480] =	vst v63  }
0x34: {  	_ =	swait.ge [sflag:s11], $0x80  }
0x35: {  	[sflag:s11] =	ssyncset.done $0x0  }
0x36: {  	[sflag:s11] =	ssyncadd.s32 $0xFFFFFF80  }
0x37: {  	v36 =	vld [tilespmem:$0x0]  }
0x38: {  	v35 =	vld [tilespmem:$0x10];
	_ =	sdelay $0x4  }
0x39: {  	v33 =	vadd.s32 $0xF, v36;
	v34 =	vadd.s32 $0xF, v35  }
0x3a: {  	vm8 =	vgt.s32 v36, $0x0;
	v33 =	vshra.s32 v33, $0x4;
	v34 =	vshra.s32 v34, $0x4  }
0x3b: {  	v41 =	vadd.s32 v33, v34;
	v42 =	vnsel vm4, $0x0, v33;
	v43 =	vnsel vm3, $0x0, v34  }
0x3c: {  	v59 =	vnsel vm2, $0x0, v33;
	v60 =	vnsel vm1, $0x0, v34;
	(xrf0) =	vadd.scan.msk.s32 $0xffff, v41;
	v58 =	vadd.s32 v42, v43  }
0x3d: {  	v39 =	vand.u32 $0xF, v36;
	v38 =	vand.u32 $0xF, v35;
	v61 =	vadd.s32 v59, v60;
	(xrf0) =	vadd.scan.msk.s32 $0xffff, v58  }
0x3e: {  	vm9 =	vgt.s32 v35, $0x0;
	vm6 =	veq.s32 v39, $0x0;
	vm10 =	veq.s32 v38, $0x0;
	(xrf0) =	vadd.scan.msk.s32 $0xffff, v61  }
0x3f: {  	vm7 =	vmand vm8, vm6;
	vm6 =	vmand vm9, vm10  }
0x40: {  	v40 =	vsel vm7, $0x1, v18;
	v37 =	vsel vm6, $0x1, v18  }
0x41: {  	v62 =	vnsel vm4, $0x0, v40;
	v63 =	vnsel vm3, $0x0, v37  }
0x42: {  	v44 =	vadd.s32 v62, v63;
	v47, _, _ =	vpop (xrf0)  }
0x43: {  	v45 =	vnsel vm2, $0x0, v40;
	v46 =	vnsel vm1, $0x0, v37;
	(xrf0) =	vadd.scan.msk.s32 $0xffff, v44;
	v48, _, _ =	vpop (xrf0)  }
0x44: {  	v41 =	vadd.s32 v45, v46;
	(v2sf) =	vpush v47, $0xF;
	v49, _, _ =	vpop (xrf0)  }
0x45: {  	(xrf0) =	vadd.scan.msk.s32 $0xffff, v41;
	(v2sf) =	vpush v49, $0xF;
	_ =	sdelay $0x3  }
0x46: {  	v50, _, _ =	vpop (xrf0)  }
0x47: {  	(v2sf) =	vpush v50, $0xF  }
0x48: {  	v51, _, _ =	vpop (xrf0)  }
0x49: {  	(v2sf) =	vpush v51, $0xF  }
0x4a: {  	v47 =	vadd.s32 v40, v37  }
0x4b: {  	(xrf0) =	vadd.scan.msk.s32 $0xffff, v47;
	_ =	sdelay $0x3  }
0x4c: {  	v41 =	vbroadcast v48, $0xF  }
0x4d: {  	s20 =	spop (v2sf)  }
0x4e: {  	vm10 =	vmmov vm5;
	vm11 =	vgt.s32 v41, v0;
	v50, _, _ =	vpop (xrf0);
	s19 =	spop (v2sf)  }
0x4f: {  	vm12 =	vgt.s32 v41, v17;
	vm13 =	veq.s32 v41, v20;
	(v2sf) =	vpush v50, $0xF;
	s21 =	sadd.s32 $0x1, s19  }
0x50: {  	v52 =	vadd.s32 s21, v0;
	v53 =	vadd.s32 s21, v17;
	v44 =	vadd.s32 s21, v19  }
0x51: {  	v45 =	vadd.s32 s21, v20;
	v46 =	vadd.s32 s21, v21;
	v54 =	vadd.s32 s21, v22  }
0x52: {  	v48 =	vadd.s32 s21, v23;
	v49 =	vadd.s32 s21, v24;
	v55 =	vadd.s32 s21, v25  }
0x53: {  	s22 =	spop (v2sf);
	v56 =	vadd.s32 s21, v26;
	v58 =	vadd.s32 s21, v27;
	v59 =	vadd.s32 s21, v28  }
0x54: {  	p5 =	sgt.s32 s22, $0x0;
	v60 =	vadd.s32 s21, v29;
	v61 =	vadd.s32 s21, v30;
	v63 =	vadd.s32 s21, v31  }
0x55: {  	s19 =	sadd.s32 $0x1, s20;
	s30 =	spop (v2sf);
	v42 =	vnsel vm11, $0x0, v52;
	vm11 =	veq.s32 v41, v0;
	vm10 =	vmneg @p5 vm10  }
0x56: {  	s22 =	sadd.s32 s19, s30;
	v43 =	vnsel vm12, $0x0, v53;
	vm12 =	vgt.s32 v41, v19;
	vm11 =	vmand vm11, vm10  }
0x57: {  	v44 =	vnsel vm12, $0x0, v44;
	vm12 =	vgt.s32 v41, v20;
	v42 =	vsel vm11, s22, v42  }
0x58: {  	vm11 =	veq.s32 v41, v17;
	v45 =	vnsel vm12, $0x0, v45;
	vm12 =	vmand vm13, vm10  }
0x59: {  	vm13 =	vgt.s32 v41, v21;
	vm11 =	vmand vm11, vm10;
	v45 =	vsel vm12, s22, v45  }
0x5a: {  	v46 =	vnsel vm13, $0x0, v46;
	vm12 =	vgt.s32 v41, v22;
	vm13 =	veq.s32 v41, v22  }
0x5b: {  	v43 =	vsel vm11, s22, v43;
	vm11 =	veq.s32 v41, v19;
	v47 =	vnsel vm12, $0x0, v54  }
0x5c: {  	vm12 =	vgt.s32 v41, v23;
	vm13 =	vmand vm13, vm10;
	vm11 =	vmand vm11, vm10  }
0x5d: {  	v48 =	vnsel vm12, $0x0, v48;
	vm12 =	veq.s32 v41, v23;
	v47 =	vsel vm13, s22, v47  }
0x5e: {  	v44 =	vsel vm11, s22, v44;
	vm11 =	veq.s32 v41, v21;
	vm12 =	vmand vm12, vm10  }
0x5f: {  	vm13 =	veq.s32 v41, v25;
	vm11 =	vmand vm11, vm10;
	v48 =	vsel vm12, s22, v48  }
0x60: {  	vm12 =	veq.s32 v41, v24;
	v46 =	vsel vm11, s22, v46;
	vm11 =	vgt.s32 v41, v24  }
0x61: {  	[tilespmem:$0x80] =	vst v42;
	v49 =	vnsel vm11, $0x0, v49;
	vm11 =	vmand vm12, vm10;
	vm12 =	vgt.s32 v41, v25  }
0x62: {  	[tilespmem:$0xB0] =	vst v45;
	v49 =	vsel vm11, s22, v49;
	v50 =	vnsel vm12, $0x0, v55;
	vm11 =	vmand vm13, vm10  }
0x63: {  	[tilespmem:$0x90] =	vst v43;
	vm12 =	vgt.s32 v41, v26;
	vm13 =	veq.s32 v41, v26;
	v57 =	vsel vm11, s22, v50  }
0x64: {  	[tilespmem:$0xD0] =	vst v47;
	v42 =	vnsel vm12, $0x0, v56;
	vm11 =	vmand vm13, vm10;
	vm12 =	vgt.s32 v41, v27  }
0x65: {  	[tilespmem:$0xA0] =	vst v44;
	vm13 =	veq.s32 v41, v27;
	v42 =	vsel vm11, s22, v42;
	v44 =	vnsel vm12, $0x0, v58  }
0x66: {  	[tilespmem:$0xE0] =	vst v48;
	vm11 =	vmand vm13, vm10;
	vm12 =	vgt.s32 v41, v28;
	vm13 =	veq.s32 v41, v28  }
0x67: {  	[tilespmem:$0xC0] =	vst v46;
	v44 =	vsel vm11, s22, v44;
	v45 =	vnsel vm12, $0x0, v59;
	vm11 =	vmand vm13, vm10  }
0x68: {  	[tilespmem:$0xF0] =	vst v49;
	vm12 =	vgt.s32 v41, v29;
	vm13 =	veq.s32 v41, v29;
	v45 =	vsel vm11, s22, v45  }
0x69: {  	[tilespmem:$0x100] =	vst v57;
	v46 =	vnsel vm12, $0x0, v60;
	vm11 =	vmand vm13, vm10;
	vm12 =	vgt.s32 v41, v30  }
0x6a: {  	[tilespmem:$0x110] =	vst v42;
	vm13 =	veq.s32 v41, v30;
	v62 =	vsel vm11, s22, v46;
	v43 =	vnsel vm12, $0x0, v61  }
0x6b: {  	[tilespmem:$0x120] =	vst v44;
	vm11 =	vmand vm13, vm10;
	vm12 =	vgt.s32 v41, v31;
	vm13 =	veq.s32 v41, v31  }
0x6c: {  	[tilespmem:$0x130] =	vst v45;
	v46 =	vadd.s32 s21, v32;
	v43 =	vsel vm11, s22, v43;
	v44 =	vnsel vm12, $0x0, v63  }
0x6d: {  	s31 =	spop (v2sf);
	vm11 =	vmand vm13, vm10;
	[tilespmem:$0x140] =	vst v62;
	vm12 =	vgt.s32 v41, v32;
	vm13 =	veq.s32 v41, v32  }
0x6e: {  	s20 =	sadd.s32 s20, s31;
	v47 =	vsel vm11, s22, v44;
	v41 =	vnsel vm12, $0x0, v46;
	[tilespmem:$0x150] =	vst v43;
	vm10 =	vmand vm13, vm10  }
0x6f: {  	[tilespmem:$0x160] =	vst v47;
	v41 =	vsel vm10, s22, v41;
	vm10 =	vle.s32 v1, s20  }
0x70: {  	[tilespmem:$0x170] =	vst v41;
	vm10 =	vmand vm0, vm10  }
0x71: {  	[hbm4b:s8+s13] =	stream.strided.scatter [tilespmem:s13], [sflag:$0x1], $0x100, s12, s13, $0x38;
	v48 =	vsel vm10, $0x1, v18;
	vm10 =	vle.s32 v2, s20;
	[tilespmem:$0x480] =	vst v63  }
0x72: {  	[tilespmem:$0x180] =	vst v48;
	v49 =	vsel vm10, $0x1, v18;
	vm10 =	vle.s32 v3, s20  }
0x73: {  	[tilespmem:$0x190] =	vst v49;
	v50 =	vsel vm10, $0x1, v18;
	vm10 =	vle.s32 v4, s20  }
0x74: {  	[tilespmem:$0x1A0] =	vst v50;
	v51 =	vsel vm10, $0x1, v18;
	vm10 =	vle.s32 v5, s20  }
0x75: {  	[tilespmem:$0x1B0] =	vst v51;
	v52 =	vsel vm10, $0x1, v18;
	vm10 =	vle.s32 v6, s20  }
0x76: {  	[tilespmem:$0x1C0] =	vst v52;
	v53 =	vsel vm10, $0x1, v18;
	vm10 =	vle.s32 v7, s20  }
0x77: {  	[tilespmem:$0x1D0] =	vst v53;
	v54 =	vsel vm10, $0x1, v18;
	vm10 =	vle.s32 v8, s20  }
0x78: {  	[tilespmem:$0x1E0] =	vst v54;
	v55 =	vsel vm10, $0x1, v18;
	vm10 =	vle.s32 v9, s20  }
0x79: {  	[tilespmem:$0x1F0] =	vst v55;
	v56 =	vsel vm10, $0x1, v18;
	vm10 =	vle.s32 v10, s20  }
0x7a: {  	[tilespmem:$0x200] =	vst v56;
	v57 =	vsel vm10, $0x1, v18;
	vm10 =	vle.s32 v11, s20  }
0x7b: {  	[tilespmem:$0x210] =	vst v57;
	v58 =	vsel vm10, $0x1, v18;
	vm10 =	vle.s32 v12, s20  }
0x7c: {  	[tilespmem:$0x220] =	vst v58;
	v59 =	vsel vm10, $0x1, v18;
	vm10 =	vle.s32 v13, s20  }
0x7d: {  	[tilespmem:$0x230] =	vst v59;
	v60 =	vsel vm10, $0x1, v18;
	vm10 =	vle.s32 v14, s20  }
.Ltmp2:
0x7e: {  	[tilespmem:$0x240] =	vst v60;
	v61 =	vsel vm10, $0x1, v18;
	vm10 =	vle.s32 v15, s20;
	(pc) =	sbr.rel @p0 .LBB2_5-.Ltmp2, $4  }
0x7f: {  	[tilespmem:$0x250] =	vst v61;
	v62 =	vsel vm10, $0x1, v18;
	vm10 =	vle.s32 v16, s20  }
0x80: {  	[tilespmem:$0x260] =	vst v62;
	v63 =	vsel vm10, $0x1, v18  }
0x81: {  	[tilespmem:$0x270] =	vst v63  }
0x82: {  	[hbm4b:s9+s7] =	stream.linear.scatter [tilespmem:s14], [sflag:$0x1], $0x100, $0x38;
	[tilespmem:$0x480] =	vst v63  }
.Ltmp3:
0x83: {  	(pc) =	sbr.rel @p1 .LBB2_8-.Ltmp3, $1  }
0x84: {  	_ =	sdelay $0x3  }
.Ltmp4:
0x85: {  	(pc) =	sbr.rel @!p2 .LBB2_11-.Ltmp4, $1  }
0x86: {  	_ =	sdelay $0x3  }
.Ltmp5:
0x87: {  	(pc) =	sbr.rel .LBB2_10-.Ltmp5, $4  }
0x88: {  	v33 =	vadd.s32 v40, v33  }
0x89: {  	v63 =	vadd.s32 v37, v34;
	[tilespmem:$0x300] =	vst v33  }
0x8a: {  	[tilespmem:$0x310] =	vst v63  }
0x8b: {  	[hbm4b:s3+s7] =	stream.linear.scatter [tilespmem:s16], [sflag:$0x1], $0x80, $0x38;
	[tilespmem:$0x480] =	vst v63  }
.LBB2_5:
.Ltmp6:
0x8c: {  	(pc) =	sbr.rel @p3 .LBB2_9-.Ltmp6, $1  }
0x8d: {  	_ =	sdelay $0x3  }
.Ltmp7:
0x8e: {  	(pc) =	sbr.rel @!p4 .LBB2_11-.Ltmp7, $1  }
0x8f: {  	_ =	sdelay $0x3  }
.Ltmp8:
0x90: {  	(pc) =	sbr.rel .LBB2_10-.Ltmp8, $4  }
0x91: {  	v33 =	vnsel vm8, $0x0, v39  }
0x92: {  	v63 =	vnsel vm9, $0x0, v38;
	[tilespmem:$0x400] =	vst v33  }
0x93: {  	[tilespmem:$0x410] =	vst v63  }
0x94: {  	[hbm4b:s6+s7] =	stream.linear.scatter [tilespmem:s12], [sflag:$0x1], $0x80, $0x38;
	[tilespmem:$0x480] =	vst v63  }
.LBB2_8:
.Ltmp9:
0x95: {  	v33 =	vsel vm8, $0x1, v18;
	(pc) =	sbr.rel .LBB2_10-.Ltmp9, $4  }
0x96: {  	v34 =	vsel vm9, $0x1, v18;
	v33 =	vadd.s32 v33, v36  }
0x97: {  	v63 =	vadd.s32 v34, v35;
	[tilespmem:$0x280] =	vst v33  }
0x98: {  	[tilespmem:$0x290] =	vst v63  }
0x99: {  	[hbm4b:s1+s7] =	stream.linear.scatter [tilespmem:s15], [sflag:$0x1], $0x80, $0x38;
	[tilespmem:$0x480] =	vst v63  }
.LBB2_12:
0x9a: {  	_ =	sfence.sel $0x180000  }
0x9b: {  	[bflag:$0x0] =	sbarrier.arrive $0xFFFF  }
0x9c: {  	p0 =	sne.s32 s2, $0x0;
	_ =	strace $0x90000047  }
0x9d: {  	s0 =	sadd.s32 @!p0 $0x100000, s4;
	[bflag:$0x2] =	sbarrier.arrive $0xFFFF  }
0x9e: {  	[sflag:s0] =	ssyncadd.tile.s32 @!p0 $0x1;
	_ =	shalt  }
.Lfunc_end2:
_tile_overlayer_lowered:
.L_overlay_start_2:
0x9f: {  	(tag) =	ssettag $0x2  }
0xa0: {  	s0 =	rddreg [dreg:$0x0];
	s2 =	stileid.u32  }
0xa1: {  	s1 =	rddreg [dreg:$0x1];
	p0 =	sne.s32 s2, $0x0  }
0xa2: {  	s3 =	rddreg [dreg:$0x2];
	[bflag:$0x3] =	sbarrier.arrive $0xFFFF;
	s2 =	simm.s32 @!p0 $0x1C02  }
0xa3: {  	[timem:s3], [sflag:s2] =	dma.local @!p0 [hbm:s0], s1  }
0xa4: {  	s0 =	simm.s32 @!p0 $0x2  }
0xa5: {  	_ =	swait.ge @!p0 [sflag:s0], s1  }
0xa6: {  	s1 =	ssub.s32 @!p0 $0x0, s1;
	[sflag:s0] =	ssyncset.done @!p0 $0x0  }
0xa7: {  	[sflag:s0] =	ssyncadd.s32 @!p0 s1  }
0xa8: {  	[bflag:$0x3] =	sbarrier.arrive $0xFFFF  }
0xa9: {  	_ =	shalt  }

</sc_bundles>
